<compile_context>
chip_gen: v7x
topology: tpu7x:2x2x1
jax: 0.10.2.dev20260603
libtpu: 0.0.44.dev20260713+nightly
codegen_flags: <defaults>
</compile_context>

<pallas_src>
import functools
import jax
import jax.numpy as jnp
from jax import lax
from jax.experimental import pallas as pl
from jax.experimental.pallas import tpu as pltpu
from jax.experimental.pallas import tpu_sc as plsc

B, S, C = 4, 8192, 2048
CPW = 256
R = 64
NCH = S // R
NJ = CPW // 16

_mesh = plsc.VectorSubcoreMesh(core_axis_name="c", subcore_axis_name="s")


@functools.partial(
    pl.kernel,
    mesh=_mesh,
    out_type=jax.ShapeDtypeStruct((B, S, C), jnp.float32),
    scratch_types=[
        pltpu.VMEM((R, CPW), jnp.float32),
        pltpu.VMEM((R, CPW), jnp.float32),
        pltpu.VMEM((R, CPW), jnp.float32),
        pltpu.VMEM((R, CPW), jnp.float32),
        pltpu.SemaphoreType.DMA,
        pltpu.SemaphoreType.DMA,
        pltpu.SemaphoreType.DMA,
        pltpu.SemaphoreType.DMA,
    ],
)
def _sc_scan(x_hbm, o_hbm, in0, in1, out0, out1, si0, si1, so0, so1):
    wid = lax.axis_index("s") * 2 + lax.axis_index("c")
    b = wid // 8
    c0 = (wid % 8) * CPW

    def src(i):
        return x_hbm.at[b, pl.ds(i * R, R), pl.ds(c0, CPW)]

    def dst(i):
        return o_hbm.at[b, pl.ds(i * R, R), pl.ds(c0, CPW)]

    def compute_rows(in_b, out_b, cs):
        def row(r, cs):
            new = []
            for j in range(NJ):
                v = in_b[r, pl.ds(16 * j, 16)] + cs[j]
                out_b[r, pl.ds(16 * j, 16)] = v
                new.append(v)
            return tuple(new)

        return lax.fori_loop(0, R, row, cs)

    pltpu.async_copy(src(0), in0, si0)
    pltpu.async_copy(src(1), in1, si1)
    cs = tuple(jnp.zeros((16,), jnp.float32) for _ in range(NJ))

    pltpu.make_async_copy(src(0), in0, si0).wait()
    cs = compute_rows(in0, out0, cs)
    pltpu.async_copy(out0, dst(0), so0)
    pltpu.async_copy(src(2), in0, si0)

    pltpu.make_async_copy(src(1), in1, si1).wait()
    cs = compute_rows(in1, out1, cs)
    pltpu.async_copy(out1, dst(1), so1)
    pltpu.async_copy(src(3), in1, si1)

    def pair(k, cs):
        i0 = 2 * k
        i1 = i0 + 1

        pltpu.make_async_copy(out0, dst(i0 - 2), so0).wait()
        pltpu.make_async_copy(src(i0), in0, si0).wait()
        cs = compute_rows(in0, out0, cs)
        pltpu.async_copy(out0, dst(i0), so0)

        @pl.when(i0 + 2 < NCH)
        def _():
            pltpu.async_copy(src(i0 + 2), in0, si0)

        pltpu.make_async_copy(out1, dst(i1 - 2), so1).wait()
        pltpu.make_async_copy(src(i1), in1, si1).wait()
        cs = compute_rows(in1, out1, cs)
        pltpu.async_copy(out1, dst(i1), so1)

        @pl.when(i1 + 2 < NCH)
        def _():
            pltpu.async_copy(src(i1 + 2), in1, si1)

        return cs

    lax.fori_loop(1, NCH // 2, pair, cs)
    pltpu.make_async_copy(out0, dst(NCH - 2), so0).wait()
    pltpu.make_async_copy(out1, dst(NCH - 1), so1).wait()


def kernel(x):
    return _sc_scan(x)

# --- scband reference (transcript-rebuilt; emitter-appended) ---
"""Pipeline reference for scband-model-new-17514876633342 (READ-ONLY COPY).

The authoritative reference and input builder live on the scoring server;
editing this copy changes nothing except your own understanding.
"""

import jax, jax.numpy as jnp
import numpy as np

DIM = 1

def setup_inputs(seed: int = 0) -> dict:
    key = jax.random.key(seed)
    x = jax.random.normal(key, (4, 8192, 2048), dtype=jnp.float32)
    return {"x": x}

def reference(x):
    # Faithful translation of the module: cumulative sum along self.dim
    return jnp.cumsum(x, axis=DIM)

if __name__ == "__main__":
    import jax
    _d = setup_inputs()
    print(jax.jit(kernel)(*tuple(_d.values())))

</pallas_src>

<mosaic_0001>
#map = affine_map<(d0, d1) -> (0, 0, 0)>
module attributes {stable_mosaic.version = 14 : i64} {
  func.func @_sc_scan(%arg0: i32, %arg1: i32, %arg2: memref<4x8192x2048xf32, #tpu.memory_space<hbm>>, %arg3: memref<4x8192x2048xf32, #tpu.memory_space<hbm>>, %arg4: memref<64x256xf32, #tpu.memory_space<vmem>>, %arg5: memref<64x256xf32, #tpu.memory_space<vmem>>, %arg6: memref<64x256xf32, #tpu.memory_space<vmem>>, %arg7: memref<64x256xf32, #tpu.memory_space<vmem>>, %arg8: memref<!tpu.dma_semaphore, #tpu.memory_space<semaphore_mem>>, %arg9: memref<!tpu.dma_semaphore, #tpu.memory_space<semaphore_mem>>, %arg10: memref<!tpu.dma_semaphore, #tpu.memory_space<semaphore_mem>>, %arg11: memref<!tpu.dma_semaphore, #tpu.memory_space<semaphore_mem>>) attributes {dimension_semantics = [#tpu.dimension_semantics<core_parallel>, #tpu.dimension_semantics<subcore_parallel>], iteration_bounds = array<i64: 2, 16>, scalar_prefetch = 0 : i64, scratch_operands = 8 : i64, tpu.core_type = #tpu.core_type<sc_vector_subcore>, window_params = [{transform_indices = #map}, {transform_indices = #map}]} {
    %mul3A = arith.constant 2 : i32
    %mul3A_0 = arith.muli %arg1, %mul3A : i32
    %add3A = arith.addi %mul3A_0, %arg0 : i32
    %jit3A = arith.constant 8 : i32
    %div3A = arith.divsi %add3A, %jit3A : i32
    %sign3A = arith.constant 0 : i32
    %sign3A_1 = arith.cmpi sgt, %add3A, %sign3A : i32
    %sign3A_2 = arith.extui %sign3A_1 : i1 to i32
    %sign3A_3 = arith.constant 0 : i32
    %sign3A_4 = arith.cmpi slt, %add3A, %sign3A_3 : i32
    %sign3A_5 = arith.extui %sign3A_4 : i1 to i32
    %sign3A_6 = arith.subi %sign3A_2, %sign3A_5 : i32
    %sign3A_7 = arith.constant 0 : i32
    %sign3A_8 = arith.cmpi sgt, %jit3A, %sign3A_7 : i32
    %sign3A_9 = arith.extui %sign3A_8 : i1 to i32
    %sign3A_10 = arith.constant 0 : i32
    %sign3A_11 = arith.cmpi slt, %jit3A, %sign3A_10 : i32
    %sign3A_12 = arith.extui %sign3A_11 : i1 to i32
    %sign3A_13 = arith.subi %sign3A_9, %sign3A_12 : i32
    %ne3A = arith.cmpi ne, %sign3A_6, %sign3A_13 : i32
    %rem3A = arith.remsi %add3A, %jit3A : i32
    %ne3A_14 = arith.constant 0 : i32
    %ne3A_15 = arith.cmpi ne, %rem3A, %ne3A_14 : i32
    %and3A = arith.andi %ne3A, %ne3A_15 : i1
    %sub3A = arith.constant 1 : i32
    %sub3A_16 = arith.subi %div3A, %sub3A : i32
    %select_n3A = arith.select %and3A, %sub3A_16, %div3A : i32
    %jit3A_17 = arith.constant 8 : i32
    %eq3A = arith.constant 0 : i32
    %eq3A_18 = arith.cmpi eq, %jit3A_17, %eq3A : i32
    %jit3A_19 = arith.constant 1 : i32
    %select_n3A_20 = arith.select %eq3A_18, %jit3A_19, %jit3A_17 : i32
    %rem3A_21 = arith.remsi %add3A, %select_n3A_20 : i32
    %ne3A_22 = arith.constant 0 : i32
    %ne3A_23 = arith.cmpi ne, %rem3A_21, %ne3A_22 : i32
    %lt3A = arith.constant 0 : i32
    %lt3A_24 = arith.cmpi slt, %rem3A_21, %lt3A : i32
    %lt3A_25 = arith.constant 0 : i32
    %lt3A_26 = arith.cmpi slt, %select_n3A_20, %lt3A_25 : i32
    %ne3A_27 = arith.xori %lt3A_24, %lt3A_26 : i1
    %and3A_28 = arith.andi %ne3A_27, %ne3A_23 : i1
    %add3A_29 = arith.addi %rem3A_21, %select_n3A_20 : i32
    %select_n3A_30 = arith.select %and3A_28, %add3A_29, %rem3A_21 : i32
    %mul3A_31 = arith.constant 256 : i32
    %mul3A_32 = arith.muli %select_n3A_30, %mul3A_31 : i32
    %dma_start3A = arith.constant 0 : i32
    %dma_start3A_33 = tpu.memref_slice %arg2[%select_n3A, %dma_start3A, %mul3A_32] : memref<4x8192x2048xf32, #tpu.memory_space<hbm>> -> memref<1x64x256xf32, #tpu.memory_space<hbm>>
    %dma_start3A_34 = tpu.memref_squeeze %dma_start3A_33 : memref<1x64x256xf32, #tpu.memory_space<hbm>> -> memref<64x256xf32, #tpu.memory_space<hbm>>
    %dma_start3A_35 = arith.constant 0 : i32
    %dma_start3A_36 = tpu.memref_slice %arg2[%select_n3A, %dma_start3A_35, %mul3A_32] : memref<4x8192x2048xf32, #tpu.memory_space<hbm>> -> memref<1x64x256xf32, #tpu.memory_space<hbm>>
    %dma_start3A_37 = tpu.memref_squeeze %dma_start3A_36 : memref<1x64x256xf32, #tpu.memory_space<hbm>> -> memref<64x256xf32, #tpu.memory_space<hbm>>
    tpu.enqueue_dma source(%dma_start3A_37 : memref<64x256xf32, #tpu.memory_space<hbm>>) target(%arg4 : memref<64x256xf32, #tpu.memory_space<vmem>>) target_semaphore(%arg8 : memref<!tpu.dma_semaphore, #tpu.memory_space<semaphore_mem>>)
    %dma_start3A_38 = arith.constant 64 : i32
    %dma_start3A_39 = tpu.memref_slice %arg2[%select_n3A, %dma_start3A_38, %mul3A_32] : memref<4x8192x2048xf32, #tpu.memory_space<hbm>> -> memref<1x64x256xf32, #tpu.memory_space<hbm>>
    %dma_start3A_40 = tpu.memref_squeeze %dma_start3A_39 : memref<1x64x256xf32, #tpu.memory_space<hbm>> -> memref<64x256xf32, #tpu.memory_space<hbm>>
    %dma_start3A_41 = arith.constant 64 : i32
    %dma_start3A_42 = tpu.memref_slice %arg2[%select_n3A, %dma_start3A_41, %mul3A_32] : memref<4x8192x2048xf32, #tpu.memory_space<hbm>> -> memref<1x64x256xf32, #tpu.memory_space<hbm>>
    %dma_start3A_43 = tpu.memref_squeeze %dma_start3A_42 : memref<1x64x256xf32, #tpu.memory_space<hbm>> -> memref<64x256xf32, #tpu.memory_space<hbm>>
    tpu.enqueue_dma source(%dma_start3A_43 : memref<64x256xf32, #tpu.memory_space<hbm>>) target(%arg5 : memref<64x256xf32, #tpu.memory_space<vmem>>) target_semaphore(%arg9 : memref<!tpu.dma_semaphore, #tpu.memory_space<semaphore_mem>>)
    %broadcast_in_dim3A = arith.constant 0.000000e+00 : f32
    %broadcast_in_dim3A_44 = vector.broadcast %broadcast_in_dim3A : f32 to vector<16xf32>
    %broadcast_in_dim3A_45 = arith.constant 0.000000e+00 : f32
    %broadcast_in_dim3A_46 = vector.broadcast %broadcast_in_dim3A_45 : f32 to vector<16xf32>
    %broadcast_in_dim3A_47 = arith.constant 0.000000e+00 : f32
    %broadcast_in_dim3A_48 = vector.broadcast %broadcast_in_dim3A_47 : f32 to vector<16xf32>
    %broadcast_in_dim3A_49 = arith.constant 0.000000e+00 : f32
    %broadcast_in_dim3A_50 = vector.broadcast %broadcast_in_dim3A_49 : f32 to vector<16xf32>
    %broadcast_in_dim3A_51 = arith.constant 0.000000e+00 : f32
    %broadcast_in_dim3A_52 = vector.broadcast %broadcast_in_dim3A_51 : f32 to vector<16xf32>
    %broadcast_in_dim3A_53 = arith.constant 0.000000e+00 : f32
    %broadcast_in_dim3A_54 = vector.broadcast %broadcast_in_dim3A_53 : f32 to vector<16xf32>
    %broadcast_in_dim3A_55 = arith.constant 0.000000e+00 : f32
    %broadcast_in_dim3A_56 = vector.broadcast %broadcast_in_dim3A_55 : f32 to vector<16xf32>
    %broadcast_in_dim3A_57 = arith.constant 0.000000e+00 : f32
    %broadcast_in_dim3A_58 = vector.broadcast %broadcast_in_dim3A_57 : f32 to vector<16xf32>
    %broadcast_in_dim3A_59 = arith.constant 0.000000e+00 : f32
    %broadcast_in_dim3A_60 = vector.broadcast %broadcast_in_dim3A_59 : f32 to vector<16xf32>
    %broadcast_in_dim3A_61 = arith.constant 0.000000e+00 : f32
    %broadcast_in_dim3A_62 = vector.broadcast %broadcast_in_dim3A_61 : f32 to vector<16xf32>
    %broadcast_in_dim3A_63 = arith.constant 0.000000e+00 : f32
    %broadcast_in_dim3A_64 = vector.broadcast %broadcast_in_dim3A_63 : f32 to vector<16xf32>
    %broadcast_in_dim3A_65 = arith.constant 0.000000e+00 : f32
    %broadcast_in_dim3A_66 = vector.broadcast %broadcast_in_dim3A_65 : f32 to vector<16xf32>
    %broadcast_in_dim3A_67 = arith.constant 0.000000e+00 : f32
    %broadcast_in_dim3A_68 = vector.broadcast %broadcast_in_dim3A_67 : f32 to vector<16xf32>
    %broadcast_in_dim3A_69 = arith.constant 0.000000e+00 : f32
    %broadcast_in_dim3A_70 = vector.broadcast %broadcast_in_dim3A_69 : f32 to vector<16xf32>
    %broadcast_in_dim3A_71 = arith.constant 0.000000e+00 : f32
    %broadcast_in_dim3A_72 = vector.broadcast %broadcast_in_dim3A_71 : f32 to vector<16xf32>
    %broadcast_in_dim3A_73 = arith.constant 0.000000e+00 : f32
    %broadcast_in_dim3A_74 = vector.broadcast %broadcast_in_dim3A_73 : f32 to vector<16xf32>
    %dma_wait3A = arith.constant 0 : i32
    %dma_wait3A_75 = tpu.memref_slice %arg2[%select_n3A, %dma_wait3A, %mul3A_32] : memref<4x8192x2048xf32, #tpu.memory_space<hbm>> -> memref<1x64x256xf32, #tpu.memory_space<hbm>>
    %dma_wait3A_76 = tpu.memref_squeeze %dma_wait3A_75 : memref<1x64x256xf32, #tpu.memory_space<hbm>> -> memref<64x256xf32, #tpu.memory_space<hbm>>
    %dma_wait3A_77 = arith.constant 0 : i32
    %dma_wait3A_78 = tpu.memref_slice %arg2[%select_n3A, %dma_wait3A_77, %mul3A_32] : memref<4x8192x2048xf32, #tpu.memory_space<hbm>> -> memref<1x64x256xf32, #tpu.memory_space<hbm>>
    %dma_wait3A_79 = tpu.memref_squeeze %dma_wait3A_78 : memref<1x64x256xf32, #tpu.memory_space<hbm>> -> memref<64x256xf32, #tpu.memory_space<hbm>>
    tpu.wait_dma2 semaphore(%arg8 : memref<!tpu.dma_semaphore, #tpu.memory_space<semaphore_mem>>) src(%dma_wait3A_79 : memref<64x256xf32, #tpu.memory_space<hbm>>) dst(%arg4 : memref<64x256xf32, #tpu.memory_space<vmem>>)
    %scan3A = arith.constant 0 : i32
    %scan3A_80 = arith.constant 64 : i32
    %scan3A_81 = arith.addi %scan3A, %scan3A_80 : i32
    %scan3A_82 = arith.constant 1 : i32
    %scan3A_83:16 = scf.for %scan3A_139 = %scan3A to %scan3A_81 step %scan3A_82 iter_args(%scan3A_140 = %broadcast_in_dim3A_44, %scan3A_141 = %broadcast_in_dim3A_46, %scan3A_142 = %broadcast_in_dim3A_48, %scan3A_143 = %broadcast_in_dim3A_50, %scan3A_144 = %broadcast_in_dim3A_52, %scan3A_145 = %broadcast_in_dim3A_54, %scan3A_146 = %broadcast_in_dim3A_56, %scan3A_147 = %broadcast_in_dim3A_58, %scan3A_148 = %broadcast_in_dim3A_60, %scan3A_149 = %broadcast_in_dim3A_62, %scan3A_150 = %broadcast_in_dim3A_64, %scan3A_151 = %broadcast_in_dim3A_66, %scan3A_152 = %broadcast_in_dim3A_68, %scan3A_153 = %broadcast_in_dim3A_70, %scan3A_154 = %broadcast_in_dim3A_72, %scan3A_155 = %broadcast_in_dim3A_74) -> (vector<16xf32>, vector<16xf32>, vector<16xf32>, vector<16xf32>, vector<16xf32>, vector<16xf32>, vector<16xf32>, vector<16xf32>, vector<16xf32>, vector<16xf32>, vector<16xf32>, vector<16xf32>, vector<16xf32>, vector<16xf32>, vector<16xf32>, vector<16xf32>)  : i32 {
      %get3A = arith.index_cast %scan3A_139 : i32 to index
      %get3A_156 = arith.constant 0 : index
      %get3A_157 = tpu.vector_load %arg4[%get3A, %get3A_156] {strides = array<i32>} : memref<64x256xf32, #tpu.memory_space<vmem>>, vector<1x16xf32>,
      %get3A_158 = vector.shape_cast %get3A_157 : vector<1x16xf32> to vector<16xf32>
      %add3A_159 = arith.addf %get3A_158, %scan3A_140 : vector<16xf32>
      %swap3A = arith.index_cast %scan3A_139 : i32 to index
      %swap3A_160 = arith.constant 0 : index
      %swap3A_161 = tpu.vector_load %arg6[%swap3A, %swap3A_160] {strides = array<i32>} : memref<64x256xf32, #tpu.memory_space<vmem>>, vector<1x16xf32>,
      %swap3A_162 = vector.shape_cast %swap3A_161 : vector<1x16xf32> to vector<16xf32>
      %swap3A_163 = vector.shape_cast %add3A_159 : vector<16xf32> to vector<1x16xf32>
      tpu.vector_store %arg6[%swap3A, %swap3A_160], %swap3A_163 {strides = array<i32>} : memref<64x256xf32, #tpu.memory_space<vmem>>, vector<1x16xf32>,
      %get3A_164 = arith.index_cast %scan3A_139 : i32 to index
      %get3A_165 = arith.constant 16 : index
      %get3A_166 = tpu.vector_load %arg4[%get3A_164, %get3A_165] {strides = array<i32>} : memref<64x256xf32, #tpu.memory_space<vmem>>, vector<1x16xf32>,
      %get3A_167 = vector.shape_cast %get3A_166 : vector<1x16xf32> to vector<16xf32>
      %add3A_168 = arith.addf %get3A_167, %scan3A_141 : vector<16xf32>
      %swap3A_169 = arith.index_cast %scan3A_139 : i32 to index
      %swap3A_170 = arith.constant 16 : index
      %swap3A_171 = tpu.vector_load %arg6[%swap3A_169, %swap3A_170] {strides = array<i32>} : memref<64x256xf32, #tpu.memory_space<vmem>>, vector<1x16xf32>,
      %swap3A_172 = vector.shape_cast %swap3A_171 : vector<1x16xf32> to vector<16xf32>
      %swap3A_173 = vector.shape_cast %add3A_168 : vector<16xf32> to vector<1x16xf32>
      tpu.vector_store %arg6[%swap3A_169, %swap3A_170], %swap3A_173 {strides = array<i32>} : memref<64x256xf32, #tpu.memory_space<vmem>>, vector<1x16xf32>,
      %get3A_174 = arith.index_cast %scan3A_139 : i32 to index
      %get3A_175 = arith.constant 32 : index
      %get3A_176 = tpu.vector_load %arg4[%get3A_174, %get3A_175] {strides = array<i32>} : memref<64x256xf32, #tpu.memory_space<vmem>>, vector<1x16xf32>,
      %get3A_177 = vector.shape_cast %get3A_176 : vector<1x16xf32> to vector<16xf32>
      %add3A_178 = arith.addf %get3A_177, %scan3A_142 : vector<16xf32>
      %swap3A_179 = arith.index_cast %scan3A_139 : i32 to index
      %swap3A_180 = arith.constant 32 : index
      %swap3A_181 = tpu.vector_load %arg6[%swap3A_179, %swap3A_180] {strides = array<i32>} : memref<64x256xf32, #tpu.memory_space<vmem>>, vector<1x16xf32>,
      %swap3A_182 = vector.shape_cast %swap3A_181 : vector<1x16xf32> to vector<16xf32>
      %swap3A_183 = vector.shape_cast %add3A_178 : vector<16xf32> to vector<1x16xf32>
      tpu.vector_store %arg6[%swap3A_179, %swap3A_180], %swap3A_183 {strides = array<i32>} : memref<64x256xf32, #tpu.memory_space<vmem>>, vector<1x16xf32>,
      %get3A_184 = arith.index_cast %scan3A_139 : i32 to index
      %get3A_185 = arith.constant 48 : index
      %get3A_186 = tpu.vector_load %arg4[%get3A_184, %get3A_185] {strides = array<i32>} : memref<64x256xf32, #tpu.memory_space<vmem>>, vector<1x16xf32>,
      %get3A_187 = vector.shape_cast %get3A_186 : vector<1x16xf32> to vector<16xf32>
      %add3A_188 = arith.addf %get3A_187, %scan3A_143 : vector<16xf32>
      %swap3A_189 = arith.index_cast %scan3A_139 : i32 to index
      %swap3A_190 = arith.constant 48 : index
      %swap3A_191 = tpu.vector_load %arg6[%swap3A_189, %swap3A_190] {strides = array<i32>} : memref<64x256xf32, #tpu.memory_space<vmem>>, vector<1x16xf32>,
      %swap3A_192 = vector.shape_cast %swap3A_191 : vector<1x16xf32> to vector<16xf32>
      %swap3A_193 = vector.shape_cast %add3A_188 : vector<16xf32> to vector<1x16xf32>
      tpu.vector_store %arg6[%swap3A_189, %swap3A_190], %swap3A_193 {strides = array<i32>} : memref<64x256xf32, #tpu.memory_space<vmem>>, vector<1x16xf32>,
      %get3A_194 = arith.index_cast %scan3A_139 : i32 to index
      %get3A_195 = arith.constant 64 : index
      %get3A_196 = tpu.vector_load %arg4[%get3A_194, %get3A_195] {strides = array<i32>} : memref<64x256xf32, #tpu.memory_space<vmem>>, vector<1x16xf32>,
      %get3A_197 = vector.shape_cast %get3A_196 : vector<1x16xf32> to vector<16xf32>
      %add3A_198 = arith.addf %get3A_197, %scan3A_144 : vector<16xf32>
      %swap3A_199 = arith.index_cast %scan3A_139 : i32 to index
      %swap3A_200 = arith.constant 64 : index
      %swap3A_201 = tpu.vector_load %arg6[%swap3A_199, %swap3A_200] {strides = array<i32>} : memref<64x256xf32, #tpu.memory_space<vmem>>, vector<1x16xf32>,
      %swap3A_202 = vector.shape_cast %swap3A_201 : vector<1x16xf32> to vector<16xf32>
      %swap3A_203 = vector.shape_cast %add3A_198 : vector<16xf32> to vector<1x16xf32>
      tpu.vector_store %arg6[%swap3A_199, %swap3A_200], %swap3A_203 {strides = array<i32>} : memref<64x256xf32, #tpu.memory_space<vmem>>, vector<1x16xf32>,
      %get3A_204 = arith.index_cast %scan3A_139 : i32 to index
      %get3A_205 = arith.constant 80 : index
      %get3A_206 = tpu.vector_load %arg4[%get3A_204, %get3A_205] {strides = array<i32>} : memref<64x256xf32, #tpu.memory_space<vmem>>, vector<1x16xf32>,
      %get3A_207 = vector.shape_cast %get3A_206 : vector<1x16xf32> to vector<16xf32>
      %add3A_208 = arith.addf %get3A_207, %scan3A_145 : vector<16xf32>
      %swap3A_209 = arith.index_cast %scan3A_139 : i32 to index
      %swap3A_210 = arith.constant 80 : index
      %swap3A_211 = tpu.vector_load %arg6[%swap3A_209, %swap3A_210] {strides = array<i32>} : memref<64x256xf32, #tpu.memory_space<vmem>>, vector<1x16xf32>,
      %swap3A_212 = vector.shape_cast %swap3A_211 : vector<1x16xf32> to vector<16xf32>
      %swap3A_213 = vector.shape_cast %add3A_208 : vector<16xf32> to vector<1x16xf32>
      tpu.vector_store %arg6[%swap3A_209, %swap3A_210], %swap3A_213 {strides = array<i32>} : memref<64x256xf32, #tpu.memory_space<vmem>>, vector<1x16xf32>,
      %get3A_214 = arith.index_cast %scan3A_139 : i32 to index
      %get3A_215 = arith.constant 96 : index
      %get3A_216 = tpu.vector_load %arg4[%get3A_214, %get3A_215] {strides = array<i32>} : memref<64x256xf32, #tpu.memory_space<vmem>>, vector<1x16xf32>,
      %get3A_217 = vector.shape_cast %get3A_216 : vector<1x16xf32> to vector<16xf32>
      %add3A_218 = arith.addf %get3A_217, %scan3A_146 : vector<16xf32>
      %swap3A_219 = arith.index_cast %scan3A_139 : i32 to index
      %swap3A_220 = arith.constant 96 : index
      %swap3A_221 = tpu.vector_load %arg6[%swap3A_219, %swap3A_220] {strides = array<i32>} : memref<64x256xf32, #tpu.memory_space<vmem>>, vector<1x16xf32>,
      %swap3A_222 = vector.shape_cast %swap3A_221 : vector<1x16xf32> to vector<16xf32>
      %swap3A_223 = vector.shape_cast %add3A_218 : vector<16xf32> to vector<1x16xf32>
      tpu.vector_store %arg6[%swap3A_219, %swap3A_220], %swap3A_223 {strides = array<i32>} : memref<64x256xf32, #tpu.memory_space<vmem>>, vector<1x16xf32>,
      %get3A_224 = arith.index_cast %scan3A_139 : i32 to index
      %get3A_225 = arith.constant 112 : index
      %get3A_226 = tpu.vector_load %arg4[%get3A_224, %get3A_225] {strides = array<i32>} : memref<64x256xf32, #tpu.memory_space<vmem>>, vector<1x16xf32>,
      %get3A_227 = vector.shape_cast %get3A_226 : vector<1x16xf32> to vector<16xf32>
      %add3A_228 = arith.addf %get3A_227, %scan3A_147 : vector<16xf32>
      %swap3A_229 = arith.index_cast %scan3A_139 : i32 to index
      %swap3A_230 = arith.constant 112 : index
      %swap3A_231 = tpu.vector_load %arg6[%swap3A_229, %swap3A_230] {strides = array<i32>} : memref<64x256xf32, #tpu.memory_space<vmem>>, vector<1x16xf32>,
      %swap3A_232 = vector.shape_cast %swap3A_231 : vector<1x16xf32> to vector<16xf32>
      %swap3A_233 = vector.shape_cast %add3A_228 : vector<16xf32> to vector<1x16xf32>
      tpu.vector_store %arg6[%swap3A_229, %swap3A_230], %swap3A_233 {strides = array<i32>} : memref<64x256xf32, #tpu.memory_space<vmem>>, vector<1x16xf32>,
      %get3A_234 = arith.index_cast %scan3A_139 : i32 to index
      %get3A_235 = arith.constant 128 : index
      %get3A_236 = tpu.vector_load %arg4[%get3A_234, %get3A_235] {strides = array<i32>} : memref<64x256xf32, #tpu.memory_space<vmem>>, vector<1x16xf32>,
      %get3A_237 = vector.shape_cast %get3A_236 : vector<1x16xf32> to vector<16xf32>
      %add3A_238 = arith.addf %get3A_237, %scan3A_148 : vector<16xf32>
      %swap3A_239 = arith.index_cast %scan3A_139 : i32 to index
      %swap3A_240 = arith.constant 128 : index
      %swap3A_241 = tpu.vector_load %arg6[%swap3A_239, %swap3A_240] {strides = array<i32>} : memref<64x256xf32, #tpu.memory_space<vmem>>, vector<1x16xf32>,
      %swap3A_242 = vector.shape_cast %swap3A_241 : vector<1x16xf32> to vector<16xf32>
      %swap3A_243 = vector.shape_cast %add3A_238 : vector<16xf32> to vector<1x16xf32>
      tpu.vector_store %arg6[%swap3A_239, %swap3A_240], %swap3A_243 {strides = array<i32>} : memref<64x256xf32, #tpu.memory_space<vmem>>, vector<1x16xf32>,
      %get3A_244 = arith.index_cast %scan3A_139 : i32 to index
      %get3A_245 = arith.constant 144 : index
      %get3A_246 = tpu.vector_load %arg4[%get3A_244, %get3A_245] {strides = array<i32>} : memref<64x256xf32, #tpu.memory_space<vmem>>, vector<1x16xf32>,
      %get3A_247 = vector.shape_cast %get3A_246 : vector<1x16xf32> to vector<16xf32>
      %add3A_248 = arith.addf %get3A_247, %scan3A_149 : vector<16xf32>
      %swap3A_249 = arith.index_cast %scan3A_139 : i32 to index
      %swap3A_250 = arith.constant 144 : index
      %swap3A_251 = tpu.vector_load %arg6[%swap3A_249, %swap3A_250] {strides = array<i32>} : memref<64x256xf32, #tpu.memory_space<vmem>>, vector<1x16xf32>,
      %swap3A_252 = vector.shape_cast %swap3A_251 : vector<1x16xf32> to vector<16xf32>
      %swap3A_253 = vector.shape_cast %add3A_248 : vector<16xf32> to vector<1x16xf32>
      tpu.vector_store %arg6[%swap3A_249, %swap3A_250], %swap3A_253 {strides = array<i32>} : memref<64x256xf32, #tpu.memory_space<vmem>>, vector<1x16xf32>,
      %get3A_254 = arith.index_cast %scan3A_139 : i32 to index
      %get3A_255 = arith.constant 160 : index
      %get3A_256 = tpu.vector_load %arg4[%get3A_254, %get3A_255] {strides = array<i32>} : memref<64x256xf32, #tpu.memory_space<vmem>>, vector<1x16xf32>,
      %get3A_257 = vector.shape_cast %get3A_256 : vector<1x16xf32> to vector<16xf32>
      %add3A_258 = arith.addf %get3A_257, %scan3A_150 : vector<16xf32>
      %swap3A_259 = arith.index_cast %scan3A_139 : i32 to index
      %swap3A_260 = arith.constant 160 : index
      %swap3A_261 = tpu.vector_load %arg6[%swap3A_259, %swap3A_260] {strides = array<i32>} : memref<64x256xf32, #tpu.memory_space<vmem>>, vector<1x16xf32>,
      %swap3A_262 = vector.shape_cast %swap3A_261 : vector<1x16xf32> to vector<16xf32>
      %swap3A_263 = vector.shape_cast %add3A_258 : vector<16xf32> to vector<1x16xf32>
      tpu.vector_store %arg6[%swap3A_259, %swap3A_260], %swap3A_263 {strides = array<i32>} : memref<64x256xf32, #tpu.memory_space<vmem>>, vector<1x16xf32>,
      %get3A_264 = arith.index_cast %scan3A_139 : i32 to index
      %get3A_265 = arith.constant 176 : index
      %get3A_266 = tpu.vector_load %arg4[%get3A_264, %get3A_265] {strides = array<i32>} : memref<64x256xf32, #tpu.memory_space<vmem>>, vector<1x16xf32>,
      %get3A_267 = vector.shape_cast %get3A_266 : vector<1x16xf32> to vector<16xf32>
      %add3A_268 = arith.addf %get3A_267, %scan3A_151 : vector<16xf32>
      %swap3A_269 = arith.index_cast %scan3A_139 : i32 to index
      %swap3A_270 = arith.constant 176 : index
      %swap3A_271 = tpu.vector_load %arg6[%swap3A_269, %swap3A_270] {strides = array<i32>} : memref<64x256xf32, #tpu.memory_space<vmem>>, vector<1x16xf32>,
      %swap3A_272 = vector.shape_cast %swap3A_271 : vector<1x16xf32> to vector<16xf32>
      %swap3A_273 = vector.shape_cast %add3A_268 : vector<16xf32> to vector<1x16xf32>
      tpu.vector_store %arg6[%swap3A_269, %swap3A_270], %swap3A_273 {strides = array<i32>} : memref<64x256xf32, #tpu.memory_space<vmem>>, vector<1x16xf32>,
      %get3A_274 = arith.index_cast %scan3A_139 : i32 to index
      %get3A_275 = arith.constant 192 : index
      %get3A_276 = tpu.vector_load %arg4[%get3A_274, %get3A_275] {strides = array<i32>} : memref<64x256xf32, #tpu.memory_space<vmem>>, vector<1x16xf32>,
      %get3A_277 = vector.shape_cast %get3A_276 : vector<1x16xf32> to vector<16xf32>
      %add3A_278 = arith.addf %get3A_277, %scan3A_152 : vector<16xf32>
      %swap3A_279 = arith.index_cast %scan3A_139 : i32 to index
      %swap3A_280 = arith.constant 192 : index
      %swap3A_281 = tpu.vector_load %arg6[%swap3A_279, %swap3A_280] {strides = array<i32>} : memref<64x256xf32, #tpu.memory_space<vmem>>, vector<1x16xf32>,
      %swap3A_282 = vector.shape_cast %swap3A_281 : vector<1x16xf32> to vector<16xf32>
      %swap3A_283 = vector.shape_cast %add3A_278 : vector<16xf32> to vector<1x16xf32>
      tpu.vector_store %arg6[%swap3A_279, %swap3A_280], %swap3A_283 {strides = array<i32>} : memref<64x256xf32, #tpu.memory_space<vmem>>, vector<1x16xf32>,
      %get3A_284 = arith.index_cast %scan3A_139 : i32 to index
      %get3A_285 = arith.constant 208 : index
      %get3A_286 = tpu.vector_load %arg4[%get3A_284, %get3A_285] {strides = array<i32>} : memref<64x256xf32, #tpu.memory_space<vmem>>, vector<1x16xf32>,
      %get3A_287 = vector.shape_cast %get3A_286 : vector<1x16xf32> to vector<16xf32>
      %add3A_288 = arith.addf %get3A_287, %scan3A_153 : vector<16xf32>
      %swap3A_289 = arith.index_cast %scan3A_139 : i32 to index
      %swap3A_290 = arith.constant 208 : index
      %swap3A_291 = tpu.vector_load %arg6[%swap3A_289, %swap3A_290] {strides = array<i32>} : memref<64x256xf32, #tpu.memory_space<vmem>>, vector<1x16xf32>,
      %swap3A_292 = vector.shape_cast %swap3A_291 : vector<1x16xf32> to vector<16xf32>
      %swap3A_293 = vector.shape_cast %add3A_288 : vector<16xf32> to vector<1x16xf32>
      tpu.vector_store %arg6[%swap3A_289, %swap3A_290], %swap3A_293 {strides = array<i32>} : memref<64x256xf32, #tpu.memory_space<vmem>>, vector<1x16xf32>,
      %get3A_294 = arith.index_cast %scan3A_139 : i32 to index
      %get3A_295 = arith.constant 224 : index
      %get3A_296 = tpu.vector_load %arg4[%get3A_294, %get3A_295] {strides = array<i32>} : memref<64x256xf32, #tpu.memory_space<vmem>>, vector<1x16xf32>,
      %get3A_297 = vector.shape_cast %get3A_296 : vector<1x16xf32> to vector<16xf32>
      %add3A_298 = arith.addf %get3A_297, %scan3A_154 : vector<16xf32>
      %swap3A_299 = arith.index_cast %scan3A_139 : i32 to index
      %swap3A_300 = arith.constant 224 : index
      %swap3A_301 = tpu.vector_load %arg6[%swap3A_299, %swap3A_300] {strides = array<i32>} : memref<64x256xf32, #tpu.memory_space<vmem>>, vector<1x16xf32>,
      %swap3A_302 = vector.shape_cast %swap3A_301 : vector<1x16xf32> to vector<16xf32>
      %swap3A_303 = vector.shape_cast %add3A_298 : vector<16xf32> to vector<1x16xf32>
      tpu.vector_store %arg6[%swap3A_299, %swap3A_300], %swap3A_303 {strides = array<i32>} : memref<64x256xf32, #tpu.memory_space<vmem>>, vector<1x16xf32>,
      %get3A_304 = arith.index_cast %scan3A_139 : i32 to index
      %get3A_305 = arith.constant 240 : index
      %get3A_306 = tpu.vector_load %arg4[%get3A_304, %get3A_305] {strides = array<i32>} : memref<64x256xf32, #tpu.memory_space<vmem>>, vector<1x16xf32>,
      %get3A_307 = vector.shape_cast %get3A_306 : vector<1x16xf32> to vector<16xf32>
      %add3A_308 = arith.addf %get3A_307, %scan3A_155 : vector<16xf32>
      %swap3A_309 = arith.index_cast %scan3A_139 : i32 to index
      %swap3A_310 = arith.constant 240 : index
      %swap3A_311 = tpu.vector_load %arg6[%swap3A_309, %swap3A_310] {strides = array<i32>} : memref<64x256xf32, #tpu.memory_space<vmem>>, vector<1x16xf32>,
      %swap3A_312 = vector.shape_cast %swap3A_311 : vector<1x16xf32> to vector<16xf32>
      %swap3A_313 = vector.shape_cast %add3A_308 : vector<16xf32> to vector<1x16xf32>
      tpu.vector_store %arg6[%swap3A_309, %swap3A_310], %swap3A_313 {strides = array<i32>} : memref<64x256xf32, #tpu.memory_space<vmem>>, vector<1x16xf32>,
      scf.yield %add3A_159, %add3A_168, %add3A_178, %add3A_188, %add3A_198, %add3A_208, %add3A_218, %add3A_228, %add3A_238, %add3A_248, %add3A_258, %add3A_268, %add3A_278, %add3A_288, %add3A_298, %add3A_308 : vector<16xf32>, vector<16xf32>, vector<16xf32>, vector<16xf32>, vector<16xf32>, vector<16xf32>, vector<16xf32>, vector<16xf32>, vector<16xf32>, vector<16xf32>, vector<16xf32>, vector<16xf32>, vector<16xf32>, vector<16xf32>, vector<16xf32>, vector<16xf32>
    }
    %scan3A_84 = arith.constant 64 : i32
    %dma_start3A_85 = arith.constant 0 : i32
    %dma_start3A_86 = tpu.memref_slice %arg3[%select_n3A, %dma_start3A_85, %mul3A_32] : memref<4x8192x2048xf32, #tpu.memory_space<hbm>> -> memref<1x64x256xf32, #tpu.memory_space<hbm>>
    %dma_start3A_87 = tpu.memref_squeeze %dma_start3A_86 : memref<1x64x256xf32, #tpu.memory_space<hbm>> -> memref<64x256xf32, #tpu.memory_space<hbm>>
    %dma_start3A_88 = arith.constant 0 : i32
    %dma_start3A_89 = tpu.memref_slice %arg3[%select_n3A, %dma_start3A_88, %mul3A_32] : memref<4x8192x2048xf32, #tpu.memory_space<hbm>> -> memref<1x64x256xf32, #tpu.memory_space<hbm>>
    %dma_start3A_90 = tpu.memref_squeeze %dma_start3A_89 : memref<1x64x256xf32, #tpu.memory_space<hbm>> -> memref<64x256xf32, #tpu.memory_space<hbm>>
    tpu.enqueue_dma source(%arg6 : memref<64x256xf32, #tpu.memory_space<vmem>>) target(%dma_start3A_90 : memref<64x256xf32, #tpu.memory_space<hbm>>) target_semaphore(%arg10 : memref<!tpu.dma_semaphore, #tpu.memory_space<semaphore_mem>>)
    %dma_start3A_91 = arith.constant 128 : i32
    %dma_start3A_92 = tpu.memref_slice %arg2[%select_n3A, %dma_start3A_91, %mul3A_32] : memref<4x8192x2048xf32, #tpu.memory_space<hbm>> -> memref<1x64x256xf32, #tpu.memory_space<hbm>>
    %dma_start3A_93 = tpu.memref_squeeze %dma_start3A_92 : memref<1x64x256xf32, #tpu.memory_space<hbm>> -> memref<64x256xf32, #tpu.memory_space<hbm>>
    %dma_start3A_94 = arith.constant 128 : i32
    %dma_start3A_95 = tpu.memref_slice %arg2[%select_n3A, %dma_start3A_94, %mul3A_32] : memref<4x8192x2048xf32, #tpu.memory_space<hbm>> -> memref<1x64x256xf32, #tpu.memory_space<hbm>>
    %dma_start3A_96 = tpu.memref_squeeze %dma_start3A_95 : memref<1x64x256xf32, #tpu.memory_space<hbm>> -> memref<64x256xf32, #tpu.memory_space<hbm>>
    tpu.enqueue_dma source(%dma_start3A_96 : memref<64x256xf32, #tpu.memory_space<hbm>>) target(%arg4 : memref<64x256xf32, #tpu.memory_space<vmem>>) target_semaphore(%arg8 : memref<!tpu.dma_semaphore, #tpu.memory_space<semaphore_mem>>)
    %dma_wait3A_97 = arith.constant 64 : i32
    %dma_wait3A_98 = tpu.memref_slice %arg2[%select_n3A, %dma_wait3A_97, %mul3A_32] : memref<4x8192x2048xf32, #tpu.memory_space<hbm>> -> memref<1x64x256xf32, #tpu.memory_space<hbm>>
    %dma_wait3A_99 = tpu.memref_squeeze %dma_wait3A_98 : memref<1x64x256xf32, #tpu.memory_space<hbm>> -> memref<64x256xf32, #tpu.memory_space<hbm>>
    %dma_wait3A_100 = arith.constant 64 : i32
    %dma_wait3A_101 = tpu.memref_slice %arg2[%select_n3A, %dma_wait3A_100, %mul3A_32] : memref<4x8192x2048xf32, #tpu.memory_space<hbm>> -> memref<1x64x256xf32, #tpu.memory_space<hbm>>
    %dma_wait3A_102 = tpu.memref_squeeze %dma_wait3A_101 : memref<1x64x256xf32, #tpu.memory_space<hbm>> -> memref<64x256xf32, #tpu.memory_space<hbm>>
    tpu.wait_dma2 semaphore(%arg9 : memref<!tpu.dma_semaphore, #tpu.memory_space<semaphore_mem>>) src(%dma_wait3A_102 : memref<64x256xf32, #tpu.memory_space<hbm>>) dst(%arg5 : memref<64x256xf32, #tpu.memory_space<vmem>>)
    %scan3A_103 = arith.constant 0 : i32
    %scan3A_104 = arith.constant 64 : i32
    %scan3A_105 = arith.addi %scan3A_103, %scan3A_104 : i32
    %scan3A_106 = arith.constant 1 : i32
    %scan3A_107:16 = scf.for %scan3A_139 = %scan3A_103 to %scan3A_105 step %scan3A_106 iter_args(%scan3A_140 = %scan3A_83#0, %scan3A_141 = %scan3A_83#1, %scan3A_142 = %scan3A_83#2, %scan3A_143 = %scan3A_83#3, %scan3A_144 = %scan3A_83#4, %scan3A_145 = %scan3A_83#5, %scan3A_146 = %scan3A_83#6, %scan3A_147 = %scan3A_83#7, %scan3A_148 = %scan3A_83#8, %scan3A_149 = %scan3A_83#9, %scan3A_150 = %scan3A_83#10, %scan3A_151 = %scan3A_83#11, %scan3A_152 = %scan3A_83#12, %scan3A_153 = %scan3A_83#13, %scan3A_154 = %scan3A_83#14, %scan3A_155 = %scan3A_83#15) -> (vector<16xf32>, vector<16xf32>, vector<16xf32>, vector<16xf32>, vector<16xf32>, vector<16xf32>, vector<16xf32>, vector<16xf32>, vector<16xf32>, vector<16xf32>, vector<16xf32>, vector<16xf32>, vector<16xf32>, vector<16xf32>, vector<16xf32>, vector<16xf32>)  : i32 {
      %get3A = arith.index_cast %scan3A_139 : i32 to index
      %get3A_156 = arith.constant 0 : index
      %get3A_157 = tpu.vector_load %arg5[%get3A, %get3A_156] {strides = array<i32>} : memref<64x256xf32, #tpu.memory_space<vmem>>, vector<1x16xf32>,
      %get3A_158 = vector.shape_cast %get3A_157 : vector<1x16xf32> to vector<16xf32>
      %add3A_159 = arith.addf %get3A_158, %scan3A_140 : vector<16xf32>
      %swap3A = arith.index_cast %scan3A_139 : i32 to index
      %swap3A_160 = arith.constant 0 : index
      %swap3A_161 = tpu.vector_load %arg7[%swap3A, %swap3A_160] {strides = array<i32>} : memref<64x256xf32, #tpu.memory_space<vmem>>, vector<1x16xf32>,
      %swap3A_162 = vector.shape_cast %swap3A_161 : vector<1x16xf32> to vector<16xf32>
      %swap3A_163 = vector.shape_cast %add3A_159 : vector<16xf32> to vector<1x16xf32>
      tpu.vector_store %arg7[%swap3A, %swap3A_160], %swap3A_163 {strides = array<i32>} : memref<64x256xf32, #tpu.memory_space<vmem>>, vector<1x16xf32>,
      %get3A_164 = arith.index_cast %scan3A_139 : i32 to index
      %get3A_165 = arith.constant 16 : index
      %get3A_166 = tpu.vector_load %arg5[%get3A_164, %get3A_165] {strides = array<i32>} : memref<64x256xf32, #tpu.memory_space<vmem>>, vector<1x16xf32>,
      %get3A_167 = vector.shape_cast %get3A_166 : vector<1x16xf32> to vector<16xf32>
      %add3A_168 = arith.addf %get3A_167, %scan3A_141 : vector<16xf32>
      %swap3A_169 = arith.index_cast %scan3A_139 : i32 to index
      %swap3A_170 = arith.constant 16 : index
      %swap3A_171 = tpu.vector_load %arg7[%swap3A_169, %swap3A_170] {strides = array<i32>} : memref<64x256xf32, #tpu.memory_space<vmem>>, vector<1x16xf32>,
      %swap3A_172 = vector.shape_cast %swap3A_171 : vector<1x16xf32> to vector<16xf32>
      %swap3A_173 = vector.shape_cast %add3A_168 : vector<16xf32> to vector<1x16xf32>
      tpu.vector_store %arg7[%swap3A_169, %swap3A_170], %swap3A_173 {strides = array<i32>} : memref<64x256xf32, #tpu.memory_space<vmem>>, vector<1x16xf32>,
      %get3A_174 = arith.index_cast %scan3A_139 : i32 to index
      %get3A_175 = arith.constant 32 : index
      %get3A_176 = tpu.vector_load %arg5[%get3A_174, %get3A_175] {strides = array<i32>} : memref<64x256xf32, #tpu.memory_space<vmem>>, vector<1x16xf32>,
      %get3A_177 = vector.shape_cast %get3A_176 : vector<1x16xf32> to vector<16xf32>
      %add3A_178 = arith.addf %get3A_177, %scan3A_142 : vector<16xf32>
      %swap3A_179 = arith.index_cast %scan3A_139 : i32 to index
      %swap3A_180 = arith.constant 32 : index
      %swap3A_181 = tpu.vector_load %arg7[%swap3A_179, %swap3A_180] {strides = array<i32>} : memref<64x256xf32, #tpu.memory_space<vmem>>, vector<1x16xf32>,
      %swap3A_182 = vector.shape_cast %swap3A_181 : vector<1x16xf32> to vector<16xf32>
      %swap3A_183 = vector.shape_cast %add3A_178 : vector<16xf32> to vector<1x16xf32>
      tpu.vector_store %arg7[%swap3A_179, %swap3A_180], %swap3A_183 {strides = array<i32>} : memref<64x256xf32, #tpu.memory_space<vmem>>, vector<1x16xf32>,
      %get3A_184 = arith.index_cast %scan3A_139 : i32 to index
      %get3A_185 = arith.constant 48 : index
      %get3A_186 = tpu.vector_load %arg5[%get3A_184, %get3A_185] {strides = array<i32>} : memref<64x256xf32, #tpu.memory_space<vmem>>, vector<1x16xf32>,
      %get3A_187 = vector.shape_cast %get3A_186 : vector<1x16xf32> to vector<16xf32>
      %add3A_188 = arith.addf %get3A_187, %scan3A_143 : vector<16xf32>
      %swap3A_189 = arith.index_cast %scan3A_139 : i32 to index
      %swap3A_190 = arith.constant 48 : index
      %swap3A_191 = tpu.vector_load %arg7[%swap3A_189, %swap3A_190] {strides = array<i32>} : memref<64x256xf32, #tpu.memory_space<vmem>>, vector<1x16xf32>,
      %swap3A_192 = vector.shape_cast %swap3A_191 : vector<1x16xf32> to vector<16xf32>
      %swap3A_193 = vector.shape_cast %add3A_188 : vector<16xf32> to vector<1x16xf32>
      tpu.vector_store %arg7[%swap3A_189, %swap3A_190], %swap3A_193 {strides = array<i32>} : memref<64x256xf32, #tpu.memory_space<vmem>>, vector<1x16xf32>,
      %get3A_194 = arith.index_cast %scan3A_139 : i32 to index
      %get3A_195 = arith.constant 64 : index
      %get3A_196 = tpu.vector_load %arg5[%get3A_194, %get3A_195] {strides = array<i32>} : memref<64x256xf32, #tpu.memory_space<vmem>>, vector<1x16xf32>,
      %get3A_197 = vector.shape_cast %get3A_196 : vector<1x16xf32> to vector<16xf32>
      %add3A_198 = arith.addf %get3A_197, %scan3A_144 : vector<16xf32>
      %swap3A_199 = arith.index_cast %scan3A_139 : i32 to index
      %swap3A_200 = arith.constant 64 : index
      %swap3A_201 = tpu.vector_load %arg7[%swap3A_199, %swap3A_200] {strides = array<i32>} : memref<64x256xf32, #tpu.memory_space<vmem>>, vector<1x16xf32>,
      %swap3A_202 = vector.shape_cast %swap3A_201 : vector<1x16xf32> to vector<16xf32>
      %swap3A_203 = vector.shape_cast %add3A_198 : vector<16xf32> to vector<1x16xf32>
      tpu.vector_store %arg7[%swap3A_199, %swap3A_200], %swap3A_203 {strides = array<i32>} : memref<64x256xf32, #tpu.memory_space<vmem>>, vector<1x16xf32>,
      %get3A_204 = arith.index_cast %scan3A_139 : i32 to index
      %get3A_205 = arith.constant 80 : index
      %get3A_206 = tpu.vector_load %arg5[%get3A_204, %get3A_205] {strides = array<i32>} : memref<64x256xf32, #tpu.memory_space<vmem>>, vector<1x16xf32>,
      %get3A_207 = vector.shape_cast %get3A_206 : vector<1x16xf32> to vector<16xf32>
      %add3A_208 = arith.addf %get3A_207, %scan3A_145 : vector<16xf32>
      %swap3A_209 = arith.index_cast %scan3A_139 : i32 to index
      %swap3A_210 = arith.constant 80 : index
      %swap3A_211 = tpu.vector_load %arg7[%swap3A_209, %swap3A_210] {strides = array<i32>} : memref<64x256xf32, #tpu.memory_space<vmem>>, vector<1x16xf32>,
      %swap3A_212 = vector.shape_cast %swap3A_211 : vector<1x16xf32> to vector<16xf32>
      %swap3A_213 = vector.shape_cast %add3A_208 : vector<16xf32> to vector<1x16xf32>
      tpu.vector_store %arg7[%swap3A_209, %swap3A_210], %swap3A_213 {strides = array<i32>} : memref<64x256xf32, #tpu.memory_space<vmem>>, vector<1x16xf32>,
      %get3A_214 = arith.index_cast %scan3A_139 : i32 to index
      %get3A_215 = arith.constant 96 : index
      %get3A_216 = tpu.vector_load %arg5[%get3A_214, %get3A_215] {strides = array<i32>} : memref<64x256xf32, #tpu.memory_space<vmem>>, vector<1x16xf32>,
      %get3A_217 = vector.shape_cast %get3A_216 : vector<1x16xf32> to vector<16xf32>
      %add3A_218 = arith.addf %get3A_217, %scan3A_146 : vector<16xf32>
      %swap3A_219 = arith.index_cast %scan3A_139 : i32 to index
      %swap3A_220 = arith.constant 96 : index
      %swap3A_221 = tpu.vector_load %arg7[%swap3A_219, %swap3A_220] {strides = array<i32>} : memref<64x256xf32, #tpu.memory_space<vmem>>, vector<1x16xf32>,
      %swap3A_222 = vector.shape_cast %swap3A_221 : vector<1x16xf32> to vector<16xf32>
      %swap3A_223 = vector.shape_cast %add3A_218 : vector<16xf32> to vector<1x16xf32>
      tpu.vector_store %arg7[%swap3A_219, %swap3A_220], %swap3A_223 {strides = array<i32>} : memref<64x256xf32, #tpu.memory_space<vmem>>, vector<1x16xf32>,
      %get3A_224 = arith.index_cast %scan3A_139 : i32 to index
      %get3A_225 = arith.constant 112 : index
      %get3A_226 = tpu.vector_load %arg5[%get3A_224, %get3A_225] {strides = array<i32>} : memref<64x256xf32, #tpu.memory_space<vmem>>, vector<1x16xf32>,
      %get3A_227 = vector.shape_cast %get3A_226 : vector<1x16xf32> to vector<16xf32>
      %add3A_228 = arith.addf %get3A_227, %scan3A_147 : vector<16xf32>
      %swap3A_229 = arith.index_cast %scan3A_139 : i32 to index
      %swap3A_230 = arith.constant 112 : index
      %swap3A_231 = tpu.vector_load %arg7[%swap3A_229, %swap3A_230] {strides = array<i32>} : memref<64x256xf32, #tpu.memory_space<vmem>>, vector<1x16xf32>,
      %swap3A_232 = vector.shape_cast %swap3A_231 : vector<1x16xf32> to vector<16xf32>
      %swap3A_233 = vector.shape_cast %add3A_228 : vector<16xf32> to vector<1x16xf32>
      tpu.vector_store %arg7[%swap3A_229, %swap3A_230], %swap3A_233 {strides = array<i32>} : memref<64x256xf32, #tpu.memory_space<vmem>>, vector<1x16xf32>,
      %get3A_234 = arith.index_cast %scan3A_139 : i32 to index
      %get3A_235 = arith.constant 128 : index
      %get3A_236 = tpu.vector_load %arg5[%get3A_234, %get3A_235] {strides = array<i32>} : memref<64x256xf32, #tpu.memory_space<vmem>>, vector<1x16xf32>,
      %get3A_237 = vector.shape_cast %get3A_236 : vector<1x16xf32> to vector<16xf32>
      %add3A_238 = arith.addf %get3A_237, %scan3A_148 : vector<16xf32>
      %swap3A_239 = arith.index_cast %scan3A_139 : i32 to index
      %swap3A_240 = arith.constant 128 : index
      %swap3A_241 = tpu.vector_load %arg7[%swap3A_239, %swap3A_240] {strides = array<i32>} : memref<64x256xf32, #tpu.memory_space<vmem>>, vector<1x16xf32>,
      %swap3A_242 = vector.shape_cast %swap3A_241 : vector<1x16xf32> to vector<16xf32>
      %swap3A_243 = vector.shape_cast %add3A_238 : vector<16xf32> to vector<1x16xf32>
      tpu.vector_store %arg7[%swap3A_239, %swap3A_240], %swap3A_243 {strides = array<i32>} : memref<64x256xf32, #tpu.memory_space<vmem>>, vector<1x16xf32>,
      %get3A_244 = arith.index_cast %scan3A_139 : i32 to index
      %get3A_245 = arith.constant 144 : index
      %get3A_246 = tpu.vector_load %arg5[%get3A_244, %get3A_245] {strides = array<i32>} : memref<64x256xf32, #tpu.memory_space<vmem>>, vector<1x16xf32>,
      %get3A_247 = vector.shape_cast %get3A_246 : vector<1x16xf32> to vector<16xf32>
      %add3A_248 = arith.addf %get3A_247, %scan3A_149 : vector<16xf32>
      %swap3A_249 = arith.index_cast %scan3A_139 : i32 to index
      %swap3A_250 = arith.constant 144 : index
      %swap3A_251 = tpu.vector_load %arg7[%swap3A_249, %swap3A_250] {strides = array<i32>} : memref<64x256xf32, #tpu.memory_space<vmem>>, vector<1x16xf32>,
      %swap3A_252 = vector.shape_cast %swap3A_251 : vector<1x16xf32> to vector<16xf32>
      %swap3A_253 = vector.shape_cast %add3A_248 : vector<16xf32> to vector<1x16xf32>
      tpu.vector_store %arg7[%swap3A_249, %swap3A_250], %swap3A_253 {strides = array<i32>} : memref<64x256xf32, #tpu.memory_space<vmem>>, vector<1x16xf32>,
      %get3A_254 = arith.index_cast %scan3A_139 : i32 to index
      %get3A_255 = arith.constant 160 : index
      %get3A_256 = tpu.vector_load %arg5[%get3A_254, %get3A_255] {strides = array<i32>} : memref<64x256xf32, #tpu.memory_space<vmem>>, vector<1x16xf32>,
      %get3A_257 = vector.shape_cast %get3A_256 : vector<1x16xf32> to vector<16xf32>
      %add3A_258 = arith.addf %get3A_257, %scan3A_150 : vector<16xf32>
      %swap3A_259 = arith.index_cast %scan3A_139 : i32 to index
      %swap3A_260 = arith.constant 160 : index
      %swap3A_261 = tpu.vector_load %arg7[%swap3A_259, %swap3A_260] {strides = array<i32>} : memref<64x256xf32, #tpu.memory_space<vmem>>, vector<1x16xf32>,
      %swap3A_262 = vector.shape_cast %swap3A_261 : vector<1x16xf32> to vector<16xf32>
      %swap3A_263 = vector.shape_cast %add3A_258 : vector<16xf32> to vector<1x16xf32>
      tpu.vector_store %arg7[%swap3A_259, %swap3A_260], %swap3A_263 {strides = array<i32>} : memref<64x256xf32, #tpu.memory_space<vmem>>, vector<1x16xf32>,
      %get3A_264 = arith.index_cast %scan3A_139 : i32 to index
      %get3A_265 = arith.constant 176 : index
      %get3A_266 = tpu.vector_load %arg5[%get3A_264, %get3A_265] {strides = array<i32>} : memref<64x256xf32, #tpu.memory_space<vmem>>, vector<1x16xf32>,
      %get3A_267 = vector.shape_cast %get3A_266 : vector<1x16xf32> to vector<16xf32>
      %add3A_268 = arith.addf %get3A_267, %scan3A_151 : vector<16xf32>
      %swap3A_269 = arith.index_cast %scan3A_139 : i32 to index
      %swap3A_270 = arith.constant 176 : index
      %swap3A_271 = tpu.vector_load %arg7[%swap3A_269, %swap3A_270] {strides = array<i32>} : memref<64x256xf32, #tpu.memory_space<vmem>>, vector<1x16xf32>,
      %swap3A_272 = vector.shape_cast %swap3A_271 : vector<1x16xf32> to vector<16xf32>
      %swap3A_273 = vector.shape_cast %add3A_268 : vector<16xf32> to vector<1x16xf32>
      tpu.vector_store %arg7[%swap3A_269, %swap3A_270], %swap3A_273 {strides = array<i32>} : memref<64x256xf32, #tpu.memory_space<vmem>>, vector<1x16xf32>,
      %get3A_274 = arith.index_cast %scan3A_139 : i32 to index
      %get3A_275 = arith.constant 192 : index
      %get3A_276 = tpu.vector_load %arg5[%get3A_274, %get3A_275] {strides = array<i32>} : memref<64x256xf32, #tpu.memory_space<vmem>>, vector<1x16xf32>,
      %get3A_277 = vector.shape_cast %get3A_276 : vector<1x16xf32> to vector<16xf32>
      %add3A_278 = arith.addf %get3A_277, %scan3A_152 : vector<16xf32>
      %swap3A_279 = arith.index_cast %scan3A_139 : i32 to index
      %swap3A_280 = arith.constant 192 : index
      %swap3A_281 = tpu.vector_load %arg7[%swap3A_279, %swap3A_280] {strides = array<i32>} : memref<64x256xf32, #tpu.memory_space<vmem>>, vector<1x16xf32>,
      %swap3A_282 = vector.shape_cast %swap3A_281 : vector<1x16xf32> to vector<16xf32>
      %swap3A_283 = vector.shape_cast %add3A_278 : vector<16xf32> to vector<1x16xf32>
      tpu.vector_store %arg7[%swap3A_279, %swap3A_280], %swap3A_283 {strides = array<i32>} : memref<64x256xf32, #tpu.memory_space<vmem>>, vector<1x16xf32>,
      %get3A_284 = arith.index_cast %scan3A_139 : i32 to index
      %get3A_285 = arith.constant 208 : index
      %get3A_286 = tpu.vector_load %arg5[%get3A_284, %get3A_285] {strides = array<i32>} : memref<64x256xf32, #tpu.memory_space<vmem>>, vector<1x16xf32>,
      %get3A_287 = vector.shape_cast %get3A_286 : vector<1x16xf32> to vector<16xf32>
      %add3A_288 = arith.addf %get3A_287, %scan3A_153 : vector<16xf32>
      %swap3A_289 = arith.index_cast %scan3A_139 : i32 to index
      %swap3A_290 = arith.constant 208 : index
      %swap3A_291 = tpu.vector_load %arg7[%swap3A_289, %swap3A_290] {strides = array<i32>} : memref<64x256xf32, #tpu.memory_space<vmem>>, vector<1x16xf32>,
      %swap3A_292 = vector.shape_cast %swap3A_291 : vector<1x16xf32> to vector<16xf32>
      %swap3A_293 = vector.shape_cast %add3A_288 : vector<16xf32> to vector<1x16xf32>
      tpu.vector_store %arg7[%swap3A_289, %swap3A_290], %swap3A_293 {strides = array<i32>} : memref<64x256xf32, #tpu.memory_space<vmem>>, vector<1x16xf32>,
      %get3A_294 = arith.index_cast %scan3A_139 : i32 to index
      %get3A_295 = arith.constant 224 : index
      %get3A_296 = tpu.vector_load %arg5[%get3A_294, %get3A_295] {strides = array<i32>} : memref<64x256xf32, #tpu.memory_space<vmem>>, vector<1x16xf32>,
      %get3A_297 = vector.shape_cast %get3A_296 : vector<1x16xf32> to vector<16xf32>
      %add3A_298 = arith.addf %get3A_297, %scan3A_154 : vector<16xf32>
      %swap3A_299 = arith.index_cast %scan3A_139 : i32 to index
      %swap3A_300 = arith.constant 224 : index
      %swap3A_301 = tpu.vector_load %arg7[%swap3A_299, %swap3A_300] {strides = array<i32>} : memref<64x256xf32, #tpu.memory_space<vmem>>, vector<1x16xf32>,
      %swap3A_302 = vector.shape_cast %swap3A_301 : vector<1x16xf32> to vector<16xf32>
      %swap3A_303 = vector.shape_cast %add3A_298 : vector<16xf32> to vector<1x16xf32>
      tpu.vector_store %arg7[%swap3A_299, %swap3A_300], %swap3A_303 {strides = array<i32>} : memref<64x256xf32, #tpu.memory_space<vmem>>, vector<1x16xf32>,
      %get3A_304 = arith.index_cast %scan3A_139 : i32 to index
      %get3A_305 = arith.constant 240 : index
      %get3A_306 = tpu.vector_load %arg5[%get3A_304, %get3A_305] {strides = array<i32>} : memref<64x256xf32, #tpu.memory_space<vmem>>, vector<1x16xf32>,
      %get3A_307 = vector.shape_cast %get3A_306 : vector<1x16xf32> to vector<16xf32>
      %add3A_308 = arith.addf %get3A_307, %scan3A_155 : vector<16xf32>
      %swap3A_309 = arith.index_cast %scan3A_139 : i32 to index
      %swap3A_310 = arith.constant 240 : index
      %swap3A_311 = tpu.vector_load %arg7[%swap3A_309, %swap3A_310] {strides = array<i32>} : memref<64x256xf32, #tpu.memory_space<vmem>>, vector<1x16xf32>,
      %swap3A_312 = vector.shape_cast %swap3A_311 : vector<1x16xf32> to vector<16xf32>
      %swap3A_313 = vector.shape_cast %add3A_308 : vector<16xf32> to vector<1x16xf32>
      tpu.vector_store %arg7[%swap3A_309, %swap3A_310], %swap3A_313 {strides = array<i32>} : memref<64x256xf32, #tpu.memory_space<vmem>>, vector<1x16xf32>,
      scf.yield %add3A_159, %add3A_168, %add3A_178, %add3A_188, %add3A_198, %add3A_208, %add3A_218, %add3A_228, %add3A_238, %add3A_248, %add3A_258, %add3A_268, %add3A_278, %add3A_288, %add3A_298, %add3A_308 : vector<16xf32>, vector<16xf32>, vector<16xf32>, vector<16xf32>, vector<16xf32>, vector<16xf32>, vector<16xf32>, vector<16xf32>, vector<16xf32>, vector<16xf32>, vector<16xf32>, vector<16xf32>, vector<16xf32>, vector<16xf32>, vector<16xf32>, vector<16xf32>
    }
    %scan3A_108 = arith.constant 64 : i32
    %dma_start3A_109 = arith.constant 64 : i32
    %dma_start3A_110 = tpu.memref_slice %arg3[%select_n3A, %dma_start3A_109, %mul3A_32] : memref<4x8192x2048xf32, #tpu.memory_space<hbm>> -> memref<1x64x256xf32, #tpu.memory_space<hbm>>
    %dma_start3A_111 = tpu.memref_squeeze %dma_start3A_110 : memref<1x64x256xf32, #tpu.memory_space<hbm>> -> memref<64x256xf32, #tpu.memory_space<hbm>>
    %dma_start3A_112 = arith.constant 64 : i32
    %dma_start3A_113 = tpu.memref_slice %arg3[%select_n3A, %dma_start3A_112, %mul3A_32] : memref<4x8192x2048xf32, #tpu.memory_space<hbm>> -> memref<1x64x256xf32, #tpu.memory_space<hbm>>
    %dma_start3A_114 = tpu.memref_squeeze %dma_start3A_113 : memref<1x64x256xf32, #tpu.memory_space<hbm>> -> memref<64x256xf32, #tpu.memory_space<hbm>>
    tpu.enqueue_dma source(%arg7 : memref<64x256xf32, #tpu.memory_space<vmem>>) target(%dma_start3A_114 : memref<64x256xf32, #tpu.memory_space<hbm>>) target_semaphore(%arg11 : memref<!tpu.dma_semaphore, #tpu.memory_space<semaphore_mem>>)
    %dma_start3A_115 = arith.constant 192 : i32
    %dma_start3A_116 = tpu.memref_slice %arg2[%select_n3A, %dma_start3A_115, %mul3A_32] : memref<4x8192x2048xf32, #tpu.memory_space<hbm>> -> memref<1x64x256xf32, #tpu.memory_space<hbm>>
    %dma_start3A_117 = tpu.memref_squeeze %dma_start3A_116 : memref<1x64x256xf32, #tpu.memory_space<hbm>> -> memref<64x256xf32, #tpu.memory_space<hbm>>
    %dma_start3A_118 = arith.constant 192 : i32
    %dma_start3A_119 = tpu.memref_slice %arg2[%select_n3A, %dma_start3A_118, %mul3A_32] : memref<4x8192x2048xf32, #tpu.memory_space<hbm>> -> memref<1x64x256xf32, #tpu.memory_space<hbm>>
    %dma_start3A_120 = tpu.memref_squeeze %dma_start3A_119 : memref<1x64x256xf32, #tpu.memory_space<hbm>> -> memref<64x256xf32, #tpu.memory_space<hbm>>
    tpu.enqueue_dma source(%dma_start3A_120 : memref<64x256xf32, #tpu.memory_space<hbm>>) target(%arg5 : memref<64x256xf32, #tpu.memory_space<vmem>>) target_semaphore(%arg9 : memref<!tpu.dma_semaphore, #tpu.memory_space<semaphore_mem>>)
    %scan3A_121 = arith.constant 1 : i32
    %scan3A_122 = arith.constant 63 : i32
    %scan3A_123 = arith.addi %scan3A_121, %scan3A_122 : i32
    %scan3A_124 = arith.constant 1 : i32
    %scan3A_125:16 = scf.for %scan3A_139 = %scan3A_121 to %scan3A_123 step %scan3A_124 iter_args(%scan3A_140 = %scan3A_107#0, %scan3A_141 = %scan3A_107#1, %scan3A_142 = %scan3A_107#2, %scan3A_143 = %scan3A_107#3, %scan3A_144 = %scan3A_107#4, %scan3A_145 = %scan3A_107#5, %scan3A_146 = %scan3A_107#6, %scan3A_147 = %scan3A_107#7, %scan3A_148 = %scan3A_107#8, %scan3A_149 = %scan3A_107#9, %scan3A_150 = %scan3A_107#10, %scan3A_151 = %scan3A_107#11, %scan3A_152 = %scan3A_107#12, %scan3A_153 = %scan3A_107#13, %scan3A_154 = %scan3A_107#14, %scan3A_155 = %scan3A_107#15) -> (vector<16xf32>, vector<16xf32>, vector<16xf32>, vector<16xf32>, vector<16xf32>, vector<16xf32>, vector<16xf32>, vector<16xf32>, vector<16xf32>, vector<16xf32>, vector<16xf32>, vector<16xf32>, vector<16xf32>, vector<16xf32>, vector<16xf32>, vector<16xf32>)  : i32 {
      %mul3A_156 = arith.constant 2 : i32
      %mul3A_157 = arith.muli %mul3A_156, %scan3A_139 : i32
      %add3A_158 = arith.constant 1 : i32
      %add3A_159 = arith.addi %mul3A_157, %add3A_158 : i32
      %sub3A_160 = arith.constant 2 : i32
      %sub3A_161 = arith.subi %mul3A_157, %sub3A_160 : i32
      %mul3A_162 = arith.constant 64 : i32
      %mul3A_163 = arith.muli %sub3A_161, %mul3A_162 : i32
      %dma_wait3A_164 = tpu.memref_slice %arg3[%select_n3A, %mul3A_163, %mul3A_32] : memref<4x8192x2048xf32, #tpu.memory_space<hbm>> -> memref<1x64x256xf32, #tpu.memory_space<hbm>>
      %dma_wait3A_165 = tpu.memref_squeeze %dma_wait3A_164 : memref<1x64x256xf32, #tpu.memory_space<hbm>> -> memref<64x256xf32, #tpu.memory_space<hbm>>
      %dma_wait3A_166 = tpu.memref_slice %arg3[%select_n3A, %mul3A_163, %mul3A_32] : memref<4x8192x2048xf32, #tpu.memory_space<hbm>> -> memref<1x64x256xf32, #tpu.memory_space<hbm>>
      %dma_wait3A_167 = tpu.memref_squeeze %dma_wait3A_166 : memref<1x64x256xf32, #tpu.memory_space<hbm>> -> memref<64x256xf32, #tpu.memory_space<hbm>>
      tpu.wait_dma2 semaphore(%arg10 : memref<!tpu.dma_semaphore, #tpu.memory_space<semaphore_mem>>) src(%arg6 : memref<64x256xf32, #tpu.memory_space<vmem>>) dst(%dma_wait3A_167 : memref<64x256xf32, #tpu.memory_space<hbm>>)
      %mul3A_168 = arith.constant 64 : i32
      %mul3A_169 = arith.muli %mul3A_157, %mul3A_168 : i32
      %dma_wait3A_170 = tpu.memref_slice %arg2[%select_n3A, %mul3A_169, %mul3A_32] : memref<4x8192x2048xf32, #tpu.memory_space<hbm>> -> memref<1x64x256xf32, #tpu.memory_space<hbm>>
      %dma_wait3A_171 = tpu.memref_squeeze %dma_wait3A_170 : memref<1x64x256xf32, #tpu.memory_space<hbm>> -> memref<64x256xf32, #tpu.memory_space<hbm>>
      %dma_wait3A_172 = tpu.memref_slice %arg2[%select_n3A, %mul3A_169, %mul3A_32] : memref<4x8192x2048xf32, #tpu.memory_space<hbm>> -> memref<1x64x256xf32, #tpu.memory_space<hbm>>
      %dma_wait3A_173 = tpu.memref_squeeze %dma_wait3A_172 : memref<1x64x256xf32, #tpu.memory_space<hbm>> -> memref<64x256xf32, #tpu.memory_space<hbm>>
      tpu.wait_dma2 semaphore(%arg8 : memref<!tpu.dma_semaphore, #tpu.memory_space<semaphore_mem>>) src(%dma_wait3A_173 : memref<64x256xf32, #tpu.memory_space<hbm>>) dst(%arg4 : memref<64x256xf32, #tpu.memory_space<vmem>>)
      %scan3A_174 = arith.constant 0 : i32
      %scan3A_175 = arith.constant 64 : i32
      %scan3A_176 = arith.addi %scan3A_174, %scan3A_175 : i32
      %scan3A_177 = arith.constant 1 : i32
      %scan3A_178:16 = scf.for %scan3A_224 = %scan3A_174 to %scan3A_176 step %scan3A_177 iter_args(%scan3A_225 = %scan3A_140, %scan3A_226 = %scan3A_141, %scan3A_227 = %scan3A_142, %scan3A_228 = %scan3A_143, %scan3A_229 = %scan3A_144, %scan3A_230 = %scan3A_145, %scan3A_231 = %scan3A_146, %scan3A_232 = %scan3A_147, %scan3A_233 = %scan3A_148, %scan3A_234 = %scan3A_149, %scan3A_235 = %scan3A_150, %scan3A_236 = %scan3A_151, %scan3A_237 = %scan3A_152, %scan3A_238 = %scan3A_153, %scan3A_239 = %scan3A_154, %scan3A_240 = %scan3A_155) -> (vector<16xf32>, vector<16xf32>, vector<16xf32>, vector<16xf32>, vector<16xf32>, vector<16xf32>, vector<16xf32>, vector<16xf32>, vector<16xf32>, vector<16xf32>, vector<16xf32>, vector<16xf32>, vector<16xf32>, vector<16xf32>, vector<16xf32>, vector<16xf32>)  : i32 {
        %get3A = arith.index_cast %scan3A_224 : i32 to index
        %get3A_241 = arith.constant 0 : index
        %get3A_242 = tpu.vector_load %arg4[%get3A, %get3A_241] {strides = array<i32>} : memref<64x256xf32, #tpu.memory_space<vmem>>, vector<1x16xf32>,
        %get3A_243 = vector.shape_cast %get3A_242 : vector<1x16xf32> to vector<16xf32>
        %add3A_244 = arith.addf %get3A_243, %scan3A_225 : vector<16xf32>
        %swap3A = arith.index_cast %scan3A_224 : i32 to index
        %swap3A_245 = arith.constant 0 : index
        %swap3A_246 = tpu.vector_load %arg6[%swap3A, %swap3A_245] {strides = array<i32>} : memref<64x256xf32, #tpu.memory_space<vmem>>, vector<1x16xf32>,
        %swap3A_247 = vector.shape_cast %swap3A_246 : vector<1x16xf32> to vector<16xf32>
        %swap3A_248 = vector.shape_cast %add3A_244 : vector<16xf32> to vector<1x16xf32>
        tpu.vector_store %arg6[%swap3A, %swap3A_245], %swap3A_248 {strides = array<i32>} : memref<64x256xf32, #tpu.memory_space<vmem>>, vector<1x16xf32>,
        %get3A_249 = arith.index_cast %scan3A_224 : i32 to index
        %get3A_250 = arith.constant 16 : index
        %get3A_251 = tpu.vector_load %arg4[%get3A_249, %get3A_250] {strides = array<i32>} : memref<64x256xf32, #tpu.memory_space<vmem>>, vector<1x16xf32>,
        %get3A_252 = vector.shape_cast %get3A_251 : vector<1x16xf32> to vector<16xf32>
        %add3A_253 = arith.addf %get3A_252, %scan3A_226 : vector<16xf32>
        %swap3A_254 = arith.index_cast %scan3A_224 : i32 to index
        %swap3A_255 = arith.constant 16 : index
        %swap3A_256 = tpu.vector_load %arg6[%swap3A_254, %swap3A_255] {strides = array<i32>} : memref<64x256xf32, #tpu.memory_space<vmem>>, vector<1x16xf32>,
        %swap3A_257 = vector.shape_cast %swap3A_256 : vector<1x16xf32> to vector<16xf32>
        %swap3A_258 = vector.shape_cast %add3A_253 : vector<16xf32> to vector<1x16xf32>
        tpu.vector_store %arg6[%swap3A_254, %swap3A_255], %swap3A_258 {strides = array<i32>} : memref<64x256xf32, #tpu.memory_space<vmem>>, vector<1x16xf32>,
        %get3A_259 = arith.index_cast %scan3A_224 : i32 to index
        %get3A_260 = arith.constant 32 : index
        %get3A_261 = tpu.vector_load %arg4[%get3A_259, %get3A_260] {strides = array<i32>} : memref<64x256xf32, #tpu.memory_space<vmem>>, vector<1x16xf32>,
        %get3A_262 = vector.shape_cast %get3A_261 : vector<1x16xf32> to vector<16xf32>
        %add3A_263 = arith.addf %get3A_262, %scan3A_227 : vector<16xf32>
        %swap3A_264 = arith.index_cast %scan3A_224 : i32 to index
        %swap3A_265 = arith.constant 32 : index
        %swap3A_266 = tpu.vector_load %arg6[%swap3A_264, %swap3A_265] {strides = array<i32>} : memref<64x256xf32, #tpu.memory_space<vmem>>, vector<1x16xf32>,
        %swap3A_267 = vector.shape_cast %swap3A_266 : vector<1x16xf32> to vector<16xf32>
        %swap3A_268 = vector.shape_cast %add3A_263 : vector<16xf32> to vector<1x16xf32>
        tpu.vector_store %arg6[%swap3A_264, %swap3A_265], %swap3A_268 {strides = array<i32>} : memref<64x256xf32, #tpu.memory_space<vmem>>, vector<1x16xf32>,
        %get3A_269 = arith.index_cast %scan3A_224 : i32 to index
        %get3A_270 = arith.constant 48 : index
        %get3A_271 = tpu.vector_load %arg4[%get3A_269, %get3A_270] {strides = array<i32>} : memref<64x256xf32, #tpu.memory_space<vmem>>, vector<1x16xf32>,
        %get3A_272 = vector.shape_cast %get3A_271 : vector<1x16xf32> to vector<16xf32>
        %add3A_273 = arith.addf %get3A_272, %scan3A_228 : vector<16xf32>
        %swap3A_274 = arith.index_cast %scan3A_224 : i32 to index
        %swap3A_275 = arith.constant 48 : index
        %swap3A_276 = tpu.vector_load %arg6[%swap3A_274, %swap3A_275] {strides = array<i32>} : memref<64x256xf32, #tpu.memory_space<vmem>>, vector<1x16xf32>,
        %swap3A_277 = vector.shape_cast %swap3A_276 : vector<1x16xf32> to vector<16xf32>
        %swap3A_278 = vector.shape_cast %add3A_273 : vector<16xf32> to vector<1x16xf32>
        tpu.vector_store %arg6[%swap3A_274, %swap3A_275], %swap3A_278 {strides = array<i32>} : memref<64x256xf32, #tpu.memory_space<vmem>>, vector<1x16xf32>,
        %get3A_279 = arith.index_cast %scan3A_224 : i32 to index
        %get3A_280 = arith.constant 64 : index
        %get3A_281 = tpu.vector_load %arg4[%get3A_279, %get3A_280] {strides = array<i32>} : memref<64x256xf32, #tpu.memory_space<vmem>>, vector<1x16xf32>,
        %get3A_282 = vector.shape_cast %get3A_281 : vector<1x16xf32> to vector<16xf32>
        %add3A_283 = arith.addf %get3A_282, %scan3A_229 : vector<16xf32>
        %swap3A_284 = arith.index_cast %scan3A_224 : i32 to index
        %swap3A_285 = arith.constant 64 : index
        %swap3A_286 = tpu.vector_load %arg6[%swap3A_284, %swap3A_285] {strides = array<i32>} : memref<64x256xf32, #tpu.memory_space<vmem>>, vector<1x16xf32>,
        %swap3A_287 = vector.shape_cast %swap3A_286 : vector<1x16xf32> to vector<16xf32>
        %swap3A_288 = vector.shape_cast %add3A_283 : vector<16xf32> to vector<1x16xf32>
        tpu.vector_store %arg6[%swap3A_284, %swap3A_285], %swap3A_288 {strides = array<i32>} : memref<64x256xf32, #tpu.memory_space<vmem>>, vector<1x16xf32>,
        %get3A_289 = arith.index_cast %scan3A_224 : i32 to index
        %get3A_290 = arith.constant 80 : index
        %get3A_291 = tpu.vector_load %arg4[%get3A_289, %get3A_290] {strides = array<i32>} : memref<64x256xf32, #tpu.memory_space<vmem>>, vector<1x16xf32>,
        %get3A_292 = vector.shape_cast %get3A_291 : vector<1x16xf32> to vector<16xf32>
        %add3A_293 = arith.addf %get3A_292, %scan3A_230 : vector<16xf32>
        %swap3A_294 = arith.index_cast %scan3A_224 : i32 to index
        %swap3A_295 = arith.constant 80 : index
        %swap3A_296 = tpu.vector_load %arg6[%swap3A_294, %swap3A_295] {strides = array<i32>} : memref<64x256xf32, #tpu.memory_space<vmem>>, vector<1x16xf32>,
        %swap3A_297 = vector.shape_cast %swap3A_296 : vector<1x16xf32> to vector<16xf32>
        %swap3A_298 = vector.shape_cast %add3A_293 : vector<16xf32> to vector<1x16xf32>
        tpu.vector_store %arg6[%swap3A_294, %swap3A_295], %swap3A_298 {strides = array<i32>} : memref<64x256xf32, #tpu.memory_space<vmem>>, vector<1x16xf32>,
        %get3A_299 = arith.index_cast %scan3A_224 : i32 to index
        %get3A_300 = arith.constant 96 : index
        %get3A_301 = tpu.vector_load %arg4[%get3A_299, %get3A_300] {strides = array<i32>} : memref<64x256xf32, #tpu.memory_space<vmem>>, vector<1x16xf32>,
        %get3A_302 = vector.shape_cast %get3A_301 : vector<1x16xf32> to vector<16xf32>
        %add3A_303 = arith.addf %get3A_302, %scan3A_231 : vector<16xf32>
        %swap3A_304 = arith.index_cast %scan3A_224 : i32 to index
        %swap3A_305 = arith.constant 96 : index
        %swap3A_306 = tpu.vector_load %arg6[%swap3A_304, %swap3A_305] {strides = array<i32>} : memref<64x256xf32, #tpu.memory_space<vmem>>, vector<1x16xf32>,
        %swap3A_307 = vector.shape_cast %swap3A_306 : vector<1x16xf32> to vector<16xf32>
        %swap3A_308 = vector.shape_cast %add3A_303 : vector<16xf32> to vector<1x16xf32>
        tpu.vector_store %arg6[%swap3A_304, %swap3A_305], %swap3A_308 {strides = array<i32>} : memref<64x256xf32, #tpu.memory_space<vmem>>, vector<1x16xf32>,
        %get3A_309 = arith.index_cast %scan3A_224 : i32 to index
        %get3A_310 = arith.constant 112 : index
        %get3A_311 = tpu.vector_load %arg4[%get3A_309, %get3A_310] {strides = array<i32>} : memref<64x256xf32, #tpu.memory_space<vmem>>, vector<1x16xf32>,
        %get3A_312 = vector.shape_cast %get3A_311 : vector<1x16xf32> to vector<16xf32>
        %add3A_313 = arith.addf %get3A_312, %scan3A_232 : vector<16xf32>
        %swap3A_314 = arith.index_cast %scan3A_224 : i32 to index
        %swap3A_315 = arith.constant 112 : index
        %swap3A_316 = tpu.vector_load %arg6[%swap3A_314, %swap3A_315] {strides = array<i32>} : memref<64x256xf32, #tpu.memory_space<vmem>>, vector<1x16xf32>,
        %swap3A_317 = vector.shape_cast %swap3A_316 : vector<1x16xf32> to vector<16xf32>
        %swap3A_318 = vector.shape_cast %add3A_313 : vector<16xf32> to vector<1x16xf32>
        tpu.vector_store %arg6[%swap3A_314, %swap3A_315], %swap3A_318 {strides = array<i32>} : memref<64x256xf32, #tpu.memory_space<vmem>>, vector<1x16xf32>,
        %get3A_319 = arith.index_cast %scan3A_224 : i32 to index
        %get3A_320 = arith.constant 128 : index
        %get3A_321 = tpu.vector_load %arg4[%get3A_319, %get3A_320] {strides = array<i32>} : memref<64x256xf32, #tpu.memory_space<vmem>>, vector<1x16xf32>,
        %get3A_322 = vector.shape_cast %get3A_321 : vector<1x16xf32> to vector<16xf32>
        %add3A_323 = arith.addf %get3A_322, %scan3A_233 : vector<16xf32>
        %swap3A_324 = arith.index_cast %scan3A_224 : i32 to index
        %swap3A_325 = arith.constant 128 : index
        %swap3A_326 = tpu.vector_load %arg6[%swap3A_324, %swap3A_325] {strides = array<i32>} : memref<64x256xf32, #tpu.memory_space<vmem>>, vector<1x16xf32>,
        %swap3A_327 = vector.shape_cast %swap3A_326 : vector<1x16xf32> to vector<16xf32>
        %swap3A_328 = vector.shape_cast %add3A_323 : vector<16xf32> to vector<1x16xf32>
        tpu.vector_store %arg6[%swap3A_324, %swap3A_325], %swap3A_328 {strides = array<i32>} : memref<64x256xf32, #tpu.memory_space<vmem>>, vector<1x16xf32>,
        %get3A_329 = arith.index_cast %scan3A_224 : i32 to index
        %get3A_330 = arith.constant 144 : index
        %get3A_331 = tpu.vector_load %arg4[%get3A_329, %get3A_330] {strides = array<i32>} : memref<64x256xf32, #tpu.memory_space<vmem>>, vector<1x16xf32>,
        %get3A_332 = vector.shape_cast %get3A_331 : vector<1x16xf32> to vector<16xf32>
        %add3A_333 = arith.addf %get3A_332, %scan3A_234 : vector<16xf32>
        %swap3A_334 = arith.index_cast %scan3A_224 : i32 to index
        %swap3A_335 = arith.constant 144 : index
        %swap3A_336 = tpu.vector_load %arg6[%swap3A_334, %swap3A_335] {strides = array<i32>} : memref<64x256xf32, #tpu.memory_space<vmem>>, vector<1x16xf32>,
        %swap3A_337 = vector.shape_cast %swap3A_336 : vector<1x16xf32> to vector<16xf32>
        %swap3A_338 = vector.shape_cast %add3A_333 : vector<16xf32> to vector<1x16xf32>
        tpu.vector_store %arg6[%swap3A_334, %swap3A_335], %swap3A_338 {strides = array<i32>} : memref<64x256xf32, #tpu.memory_space<vmem>>, vector<1x16xf32>,
        %get3A_339 = arith.index_cast %scan3A_224 : i32 to index
        %get3A_340 = arith.constant 160 : index
        %get3A_341 = tpu.vector_load %arg4[%get3A_339, %get3A_340] {strides = array<i32>} : memref<64x256xf32, #tpu.memory_space<vmem>>, vector<1x16xf32>,
        %get3A_342 = vector.shape_cast %get3A_341 : vector<1x16xf32> to vector<16xf32>
        %add3A_343 = arith.addf %get3A_342, %scan3A_235 : vector<16xf32>
        %swap3A_344 = arith.index_cast %scan3A_224 : i32 to index
        %swap3A_345 = arith.constant 160 : index
        %swap3A_346 = tpu.vector_load %arg6[%swap3A_344, %swap3A_345] {strides = array<i32>} : memref<64x256xf32, #tpu.memory_space<vmem>>, vector<1x16xf32>,
        %swap3A_347 = vector.shape_cast %swap3A_346 : vector<1x16xf32> to vector<16xf32>
        %swap3A_348 = vector.shape_cast %add3A_343 : vector<16xf32> to vector<1x16xf32>
        tpu.vector_store %arg6[%swap3A_344, %swap3A_345], %swap3A_348 {strides = array<i32>} : memref<64x256xf32, #tpu.memory_space<vmem>>, vector<1x16xf32>,
        %get3A_349 = arith.index_cast %scan3A_224 : i32 to index
        %get3A_350 = arith.constant 176 : index
        %get3A_351 = tpu.vector_load %arg4[%get3A_349, %get3A_350] {strides = array<i32>} : memref<64x256xf32, #tpu.memory_space<vmem>>, vector<1x16xf32>,
        %get3A_352 = vector.shape_cast %get3A_351 : vector<1x16xf32> to vector<16xf32>
        %add3A_353 = arith.addf %get3A_352, %scan3A_236 : vector<16xf32>
        %swap3A_354 = arith.index_cast %scan3A_224 : i32 to index
        %swap3A_355 = arith.constant 176 : index
        %swap3A_356 = tpu.vector_load %arg6[%swap3A_354, %swap3A_355] {strides = array<i32>} : memref<64x256xf32, #tpu.memory_space<vmem>>, vector<1x16xf32>,
        %swap3A_357 = vector.shape_cast %swap3A_356 : vector<1x16xf32> to vector<16xf32>
        %swap3A_358 = vector.shape_cast %add3A_353 : vector<16xf32> to vector<1x16xf32>
        tpu.vector_store %arg6[%swap3A_354, %swap3A_355], %swap3A_358 {strides = array<i32>} : memref<64x256xf32, #tpu.memory_space<vmem>>, vector<1x16xf32>,
        %get3A_359 = arith.index_cast %scan3A_224 : i32 to index
        %get3A_360 = arith.constant 192 : index
        %get3A_361 = tpu.vector_load %arg4[%get3A_359, %get3A_360] {strides = array<i32>} : memref<64x256xf32, #tpu.memory_space<vmem>>, vector<1x16xf32>,
        %get3A_362 = vector.shape_cast %get3A_361 : vector<1x16xf32> to vector<16xf32>
        %add3A_363 = arith.addf %get3A_362, %scan3A_237 : vector<16xf32>
        %swap3A_364 = arith.index_cast %scan3A_224 : i32 to index
        %swap3A_365 = arith.constant 192 : index
        %swap3A_366 = tpu.vector_load %arg6[%swap3A_364, %swap3A_365] {strides = array<i32>} : memref<64x256xf32, #tpu.memory_space<vmem>>, vector<1x16xf32>,
        %swap3A_367 = vector.shape_cast %swap3A_366 : vector<1x16xf32> to vector<16xf32>
        %swap3A_368 = vector.shape_cast %add3A_363 : vector<16xf32> to vector<1x16xf32>
        tpu.vector_store %arg6[%swap3A_364, %swap3A_365], %swap3A_368 {strides = array<i32>} : memref<64x256xf32, #tpu.memory_space<vmem>>, vector<1x16xf32>,
        %get3A_369 = arith.index_cast %scan3A_224 : i32 to index
        %get3A_370 = arith.constant 208 : index
        %get3A_371 = tpu.vector_load %arg4[%get3A_369, %get3A_370] {strides = array<i32>} : memref<64x256xf32, #tpu.memory_space<vmem>>, vector<1x16xf32>,
        %get3A_372 = vector.shape_cast %get3A_371 : vector<1x16xf32> to vector<16xf32>
        %add3A_373 = arith.addf %get3A_372, %scan3A_238 : vector<16xf32>
        %swap3A_374 = arith.index_cast %scan3A_224 : i32 to index
        %swap3A_375 = arith.constant 208 : index
        %swap3A_376 = tpu.vector_load %arg6[%swap3A_374, %swap3A_375] {strides = array<i32>} : memref<64x256xf32, #tpu.memory_space<vmem>>, vector<1x16xf32>,
        %swap3A_377 = vector.shape_cast %swap3A_376 : vector<1x16xf32> to vector<16xf32>
        %swap3A_378 = vector.shape_cast %add3A_373 : vector<16xf32> to vector<1x16xf32>
        tpu.vector_store %arg6[%swap3A_374, %swap3A_375], %swap3A_378 {strides = array<i32>} : memref<64x256xf32, #tpu.memory_space<vmem>>, vector<1x16xf32>,
        %get3A_379 = arith.index_cast %scan3A_224 : i32 to index
        %get3A_380 = arith.constant 224 : index
        %get3A_381 = tpu.vector_load %arg4[%get3A_379, %get3A_380] {strides = array<i32>} : memref<64x256xf32, #tpu.memory_space<vmem>>, vector<1x16xf32>,
        %get3A_382 = vector.shape_cast %get3A_381 : vector<1x16xf32> to vector<16xf32>
        %add3A_383 = arith.addf %get3A_382, %scan3A_239 : vector<16xf32>
        %swap3A_384 = arith.index_cast %scan3A_224 : i32 to index
        %swap3A_385 = arith.constant 224 : index
        %swap3A_386 = tpu.vector_load %arg6[%swap3A_384, %swap3A_385] {strides = array<i32>} : memref<64x256xf32, #tpu.memory_space<vmem>>, vector<1x16xf32>,
        %swap3A_387 = vector.shape_cast %swap3A_386 : vector<1x16xf32> to vector<16xf32>
        %swap3A_388 = vector.shape_cast %add3A_383 : vector<16xf32> to vector<1x16xf32>
        tpu.vector_store %arg6[%swap3A_384, %swap3A_385], %swap3A_388 {strides = array<i32>} : memref<64x256xf32, #tpu.memory_space<vmem>>, vector<1x16xf32>,
        %get3A_389 = arith.index_cast %scan3A_224 : i32 to index
        %get3A_390 = arith.constant 240 : index
        %get3A_391 = tpu.vector_load %arg4[%get3A_389, %get3A_390] {strides = array<i32>} : memref<64x256xf32, #tpu.memory_space<vmem>>, vector<1x16xf32>,
        %get3A_392 = vector.shape_cast %get3A_391 : vector<1x16xf32> to vector<16xf32>
        %add3A_393 = arith.addf %get3A_392, %scan3A_240 : vector<16xf32>
        %swap3A_394 = arith.index_cast %scan3A_224 : i32 to index
        %swap3A_395 = arith.constant 240 : index
        %swap3A_396 = tpu.vector_load %arg6[%swap3A_394, %swap3A_395] {strides = array<i32>} : memref<64x256xf32, #tpu.memory_space<vmem>>, vector<1x16xf32>,
        %swap3A_397 = vector.shape_cast %swap3A_396 : vector<1x16xf32> to vector<16xf32>
        %swap3A_398 = vector.shape_cast %add3A_393 : vector<16xf32> to vector<1x16xf32>
        tpu.vector_store %arg6[%swap3A_394, %swap3A_395], %swap3A_398 {strides = array<i32>} : memref<64x256xf32, #tpu.memory_space<vmem>>, vector<1x16xf32>,
        scf.yield %add3A_244, %add3A_253, %add3A_263, %add3A_273, %add3A_283, %add3A_293, %add3A_303, %add3A_313, %add3A_323, %add3A_333, %add3A_343, %add3A_353, %add3A_363, %add3A_373, %add3A_383, %add3A_393 : vector<16xf32>, vector<16xf32>, vector<16xf32>, vector<16xf32>, vector<16xf32>, vector<16xf32>, vector<16xf32>, vector<16xf32>, vector<16xf32>, vector<16xf32>, vector<16xf32>, vector<16xf32>, vector<16xf32>, vector<16xf32>, vector<16xf32>, vector<16xf32>
      }
      %scan3A_179 = arith.constant 64 : i32
      %mul3A_180 = arith.constant 64 : i32
      %mul3A_181 = arith.muli %mul3A_157, %mul3A_180 : i32
      %dma_start3A_182 = tpu.memref_slice %arg3[%select_n3A, %mul3A_181, %mul3A_32] : memref<4x8192x2048xf32, #tpu.memory_space<hbm>> -> memref<1x64x256xf32, #tpu.memory_space<hbm>>
      %dma_start3A_183 = tpu.memref_squeeze %dma_start3A_182 : memref<1x64x256xf32, #tpu.memory_space<hbm>> -> memref<64x256xf32, #tpu.memory_space<hbm>>
      %dma_start3A_184 = tpu.memref_slice %arg3[%select_n3A, %mul3A_181, %mul3A_32] : memref<4x8192x2048xf32, #tpu.memory_space<hbm>> -> memref<1x64x256xf32, #tpu.memory_space<hbm>>
      %dma_start3A_185 = tpu.memref_squeeze %dma_start3A_184 : memref<1x64x256xf32, #tpu.memory_space<hbm>> -> memref<64x256xf32, #tpu.memory_space<hbm>>
      tpu.enqueue_dma source(%arg6 : memref<64x256xf32, #tpu.memory_space<vmem>>) target(%dma_start3A_185 : memref<64x256xf32, #tpu.memory_space<hbm>>) target_semaphore(%arg10 : memref<!tpu.dma_semaphore, #tpu.memory_space<semaphore_mem>>)
      %add3A_186 = arith.constant 2 : i32
      %add3A_187 = arith.addi %mul3A_157, %add3A_186 : i32
      %lt3A_188 = arith.constant 128 : i32
      %lt3A_189 = arith.cmpi slt, %add3A_187, %lt3A_188 : i32
      %convert_element_type3A = arith.extui %lt3A_189 : i1 to i32
      %cond3A = arith.constant 0 : i32
      %cond3A_190 = arith.cmpi ne, %convert_element_type3A, %cond3A : i32
      scf.if %cond3A_190 {
        %add3A_224 = arith.constant 2 : i32
        %add3A_225 = arith.addi %mul3A_157, %add3A_224 : i32
        %mul3A_226 = arith.constant 64 : i32
        %mul3A_227 = arith.muli %add3A_225, %mul3A_226 : i32
        %dma_start3A_228 = tpu.memref_slice %arg2[%select_n3A, %mul3A_227, %mul3A_32] : memref<4x8192x2048xf32, #tpu.memory_space<hbm>> -> memref<1x64x256xf32, #tpu.memory_space<hbm>>
        %dma_start3A_229 = tpu.memref_squeeze %dma_start3A_228 : memref<1x64x256xf32, #tpu.memory_space<hbm>> -> memref<64x256xf32, #tpu.memory_space<hbm>>
        %dma_start3A_230 = tpu.memref_slice %arg2[%select_n3A, %mul3A_227, %mul3A_32] : memref<4x8192x2048xf32, #tpu.memory_space<hbm>> -> memref<1x64x256xf32, #tpu.memory_space<hbm>>
        %dma_start3A_231 = tpu.memref_squeeze %dma_start3A_230 : memref<1x64x256xf32, #tpu.memory_space<hbm>> -> memref<64x256xf32, #tpu.memory_space<hbm>>
        tpu.enqueue_dma source(%dma_start3A_231 : memref<64x256xf32, #tpu.memory_space<hbm>>) target(%arg4 : memref<64x256xf32, #tpu.memory_space<vmem>>) target_semaphore(%arg8 : memref<!tpu.dma_semaphore, #tpu.memory_space<semaphore_mem>>)
      } else {
      }
      %sub3A_191 = arith.constant 2 : i32
      %sub3A_192 = arith.subi %add3A_159, %sub3A_191 : i32
      %mul3A_193 = arith.constant 64 : i32
      %mul3A_194 = arith.muli %sub3A_192, %mul3A_193 : i32
      %dma_wait3A_195 = tpu.memref_slice %arg3[%select_n3A, %mul3A_194, %mul3A_32] : memref<4x8192x2048xf32, #tpu.memory_space<hbm>> -> memref<1x64x256xf32, #tpu.memory_space<hbm>>
      %dma_wait3A_196 = tpu.memref_squeeze %dma_wait3A_195 : memref<1x64x256xf32, #tpu.memory_space<hbm>> -> memref<64x256xf32, #tpu.memory_space<hbm>>
      %dma_wait3A_197 = tpu.memref_slice %arg3[%select_n3A, %mul3A_194, %mul3A_32] : memref<4x8192x2048xf32, #tpu.memory_space<hbm>> -> memref<1x64x256xf32, #tpu.memory_space<hbm>>
      %dma_wait3A_198 = tpu.memref_squeeze %dma_wait3A_197 : memref<1x64x256xf32, #tpu.memory_space<hbm>> -> memref<64x256xf32, #tpu.memory_space<hbm>>
      tpu.wait_dma2 semaphore(%arg11 : memref<!tpu.dma_semaphore, #tpu.memory_space<semaphore_mem>>) src(%arg7 : memref<64x256xf32, #tpu.memory_space<vmem>>) dst(%dma_wait3A_198 : memref<64x256xf32, #tpu.memory_space<hbm>>)
      %mul3A_199 = arith.constant 64 : i32
      %mul3A_200 = arith.muli %add3A_159, %mul3A_199 : i32
      %dma_wait3A_201 = tpu.memref_slice %arg2[%select_n3A, %mul3A_200, %mul3A_32] : memref<4x8192x2048xf32, #tpu.memory_space<hbm>> -> memref<1x64x256xf32, #tpu.memory_space<hbm>>
      %dma_wait3A_202 = tpu.memref_squeeze %dma_wait3A_201 : memref<1x64x256xf32, #tpu.memory_space<hbm>> -> memref<64x256xf32, #tpu.memory_space<hbm>>
      %dma_wait3A_203 = tpu.memref_slice %arg2[%select_n3A, %mul3A_200, %mul3A_32] : memref<4x8192x2048xf32, #tpu.memory_space<hbm>> -> memref<1x64x256xf32, #tpu.memory_space<hbm>>
      %dma_wait3A_204 = tpu.memref_squeeze %dma_wait3A_203 : memref<1x64x256xf32, #tpu.memory_space<hbm>> -> memref<64x256xf32, #tpu.memory_space<hbm>>
      tpu.wait_dma2 semaphore(%arg9 : memref<!tpu.dma_semaphore, #tpu.memory_space<semaphore_mem>>) src(%dma_wait3A_204 : memref<64x256xf32, #tpu.memory_space<hbm>>) dst(%arg5 : memref<64x256xf32, #tpu.memory_space<vmem>>)
      %scan3A_205 = arith.constant 0 : i32
      %scan3A_206 = arith.constant 64 : i32
      %scan3A_207 = arith.addi %scan3A_205, %scan3A_206 : i32
      %scan3A_208 = arith.constant 1 : i32
      %scan3A_209:16 = scf.for %scan3A_224 = %scan3A_205 to %scan3A_207 step %scan3A_208 iter_args(%scan3A_225 = %scan3A_178#0, %scan3A_226 = %scan3A_178#1, %scan3A_227 = %scan3A_178#2, %scan3A_228 = %scan3A_178#3, %scan3A_229 = %scan3A_178#4, %scan3A_230 = %scan3A_178#5, %scan3A_231 = %scan3A_178#6, %scan3A_232 = %scan3A_178#7, %scan3A_233 = %scan3A_178#8, %scan3A_234 = %scan3A_178#9, %scan3A_235 = %scan3A_178#10, %scan3A_236 = %scan3A_178#11, %scan3A_237 = %scan3A_178#12, %scan3A_238 = %scan3A_178#13, %scan3A_239 = %scan3A_178#14, %scan3A_240 = %scan3A_178#15) -> (vector<16xf32>, vector<16xf32>, vector<16xf32>, vector<16xf32>, vector<16xf32>, vector<16xf32>, vector<16xf32>, vector<16xf32>, vector<16xf32>, vector<16xf32>, vector<16xf32>, vector<16xf32>, vector<16xf32>, vector<16xf32>, vector<16xf32>, vector<16xf32>)  : i32 {
        %get3A = arith.index_cast %scan3A_224 : i32 to index
        %get3A_241 = arith.constant 0 : index
        %get3A_242 = tpu.vector_load %arg5[%get3A, %get3A_241] {strides = array<i32>} : memref<64x256xf32, #tpu.memory_space<vmem>>, vector<1x16xf32>,
        %get3A_243 = vector.shape_cast %get3A_242 : vector<1x16xf32> to vector<16xf32>
        %add3A_244 = arith.addf %get3A_243, %scan3A_225 : vector<16xf32>
        %swap3A = arith.index_cast %scan3A_224 : i32 to index
        %swap3A_245 = arith.constant 0 : index
        %swap3A_246 = tpu.vector_load %arg7[%swap3A, %swap3A_245] {strides = array<i32>} : memref<64x256xf32, #tpu.memory_space<vmem>>, vector<1x16xf32>,
        %swap3A_247 = vector.shape_cast %swap3A_246 : vector<1x16xf32> to vector<16xf32>
        %swap3A_248 = vector.shape_cast %add3A_244 : vector<16xf32> to vector<1x16xf32>
        tpu.vector_store %arg7[%swap3A, %swap3A_245], %swap3A_248 {strides = array<i32>} : memref<64x256xf32, #tpu.memory_space<vmem>>, vector<1x16xf32>,
        %get3A_249 = arith.index_cast %scan3A_224 : i32 to index
        %get3A_250 = arith.constant 16 : index
        %get3A_251 = tpu.vector_load %arg5[%get3A_249, %get3A_250] {strides = array<i32>} : memref<64x256xf32, #tpu.memory_space<vmem>>, vector<1x16xf32>,
        %get3A_252 = vector.shape_cast %get3A_251 : vector<1x16xf32> to vector<16xf32>
        %add3A_253 = arith.addf %get3A_252, %scan3A_226 : vector<16xf32>
        %swap3A_254 = arith.index_cast %scan3A_224 : i32 to index
        %swap3A_255 = arith.constant 16 : index
        %swap3A_256 = tpu.vector_load %arg7[%swap3A_254, %swap3A_255] {strides = array<i32>} : memref<64x256xf32, #tpu.memory_space<vmem>>, vector<1x16xf32>,
        %swap3A_257 = vector.shape_cast %swap3A_256 : vector<1x16xf32> to vector<16xf32>
        %swap3A_258 = vector.shape_cast %add3A_253 : vector<16xf32> to vector<1x16xf32>
        tpu.vector_store %arg7[%swap3A_254, %swap3A_255], %swap3A_258 {strides = array<i32>} : memref<64x256xf32, #tpu.memory_space<vmem>>, vector<1x16xf32>,
        %get3A_259 = arith.index_cast %scan3A_224 : i32 to index
        %get3A_260 = arith.constant 32 : index
        %get3A_261 = tpu.vector_load %arg5[%get3A_259, %get3A_260] {strides = array<i32>} : memref<64x256xf32, #tpu.memory_space<vmem>>, vector<1x16xf32>,
        %get3A_262 = vector.shape_cast %get3A_261 : vector<1x16xf32> to vector<16xf32>
        %add3A_263 = arith.addf %get3A_262, %scan3A_227 : vector<16xf32>
        %swap3A_264 = arith.index_cast %scan3A_224 : i32 to index
        %swap3A_265 = arith.constant 32 : index
        %swap3A_266 = tpu.vector_load %arg7[%swap3A_264, %swap3A_265] {strides = array<i32>} : memref<64x256xf32, #tpu.memory_space<vmem>>, vector<1x16xf32>,
        %swap3A_267 = vector.shape_cast %swap3A_266 : vector<1x16xf32> to vector<16xf32>
        %swap3A_268 = vector.shape_cast %add3A_263 : vector<16xf32> to vector<1x16xf32>
        tpu.vector_store %arg7[%swap3A_264, %swap3A_265], %swap3A_268 {strides = array<i32>} : memref<64x256xf32, #tpu.memory_space<vmem>>, vector<1x16xf32>,
        %get3A_269 = arith.index_cast %scan3A_224 : i32 to index
        %get3A_270 = arith.constant 48 : index
        %get3A_271 = tpu.vector_load %arg5[%get3A_269, %get3A_270] {strides = array<i32>} : memref<64x256xf32, #tpu.memory_space<vmem>>, vector<1x16xf32>,
        %get3A_272 = vector.shape_cast %get3A_271 : vector<1x16xf32> to vector<16xf32>
        %add3A_273 = arith.addf %get3A_272, %scan3A_228 : vector<16xf32>
        %swap3A_274 = arith.index_cast %scan3A_224 : i32 to index
        %swap3A_275 = arith.constant 48 : index
        %swap3A_276 = tpu.vector_load %arg7[%swap3A_274, %swap3A_275] {strides = array<i32>} : memref<64x256xf32, #tpu.memory_space<vmem>>, vector<1x16xf32>,
        %swap3A_277 = vector.shape_cast %swap3A_276 : vector<1x16xf32> to vector<16xf32>
        %swap3A_278 = vector.shape_cast %add3A_273 : vector<16xf32> to vector<1x16xf32>
        tpu.vector_store %arg7[%swap3A_274, %swap3A_275], %swap3A_278 {strides = array<i32>} : memref<64x256xf32, #tpu.memory_space<vmem>>, vector<1x16xf32>,
        %get3A_279 = arith.index_cast %scan3A_224 : i32 to index
        %get3A_280 = arith.constant 64 : index
        %get3A_281 = tpu.vector_load %arg5[%get3A_279, %get3A_280] {strides = array<i32>} : memref<64x256xf32, #tpu.memory_space<vmem>>, vector<1x16xf32>,
        %get3A_282 = vector.shape_cast %get3A_281 : vector<1x16xf32> to vector<16xf32>
        %add3A_283 = arith.addf %get3A_282, %scan3A_229 : vector<16xf32>
        %swap3A_284 = arith.index_cast %scan3A_224 : i32 to index
        %swap3A_285 = arith.constant 64 : index
        %swap3A_286 = tpu.vector_load %arg7[%swap3A_284, %swap3A_285] {strides = array<i32>} : memref<64x256xf32, #tpu.memory_space<vmem>>, vector<1x16xf32>,
        %swap3A_287 = vector.shape_cast %swap3A_286 : vector<1x16xf32> to vector<16xf32>
        %swap3A_288 = vector.shape_cast %add3A_283 : vector<16xf32> to vector<1x16xf32>
        tpu.vector_store %arg7[%swap3A_284, %swap3A_285], %swap3A_288 {strides = array<i32>} : memref<64x256xf32, #tpu.memory_space<vmem>>, vector<1x16xf32>,
        %get3A_289 = arith.index_cast %scan3A_224 : i32 to index
        %get3A_290 = arith.constant 80 : index
        %get3A_291 = tpu.vector_load %arg5[%get3A_289, %get3A_290] {strides = array<i32>} : memref<64x256xf32, #tpu.memory_space<vmem>>, vector<1x16xf32>,
        %get3A_292 = vector.shape_cast %get3A_291 : vector<1x16xf32> to vector<16xf32>
        %add3A_293 = arith.addf %get3A_292, %scan3A_230 : vector<16xf32>
        %swap3A_294 = arith.index_cast %scan3A_224 : i32 to index
        %swap3A_295 = arith.constant 80 : index
        %swap3A_296 = tpu.vector_load %arg7[%swap3A_294, %swap3A_295] {strides = array<i32>} : memref<64x256xf32, #tpu.memory_space<vmem>>, vector<1x16xf32>,
        %swap3A_297 = vector.shape_cast %swap3A_296 : vector<1x16xf32> to vector<16xf32>
        %swap3A_298 = vector.shape_cast %add3A_293 : vector<16xf32> to vector<1x16xf32>
        tpu.vector_store %arg7[%swap3A_294, %swap3A_295], %swap3A_298 {strides = array<i32>} : memref<64x256xf32, #tpu.memory_space<vmem>>, vector<1x16xf32>,
        %get3A_299 = arith.index_cast %scan3A_224 : i32 to index
        %get3A_300 = arith.constant 96 : index
        %get3A_301 = tpu.vector_load %arg5[%get3A_299, %get3A_300] {strides = array<i32>} : memref<64x256xf32, #tpu.memory_space<vmem>>, vector<1x16xf32>,
        %get3A_302 = vector.shape_cast %get3A_301 : vector<1x16xf32> to vector<16xf32>
        %add3A_303 = arith.addf %get3A_302, %scan3A_231 : vector<16xf32>
        %swap3A_304 = arith.index_cast %scan3A_224 : i32 to index
        %swap3A_305 = arith.constant 96 : index
        %swap3A_306 = tpu.vector_load %arg7[%swap3A_304, %swap3A_305] {strides = array<i32>} : memref<64x256xf32, #tpu.memory_space<vmem>>, vector<1x16xf32>,
        %swap3A_307 = vector.shape_cast %swap3A_306 : vector<1x16xf32> to vector<16xf32>
        %swap3A_308 = vector.shape_cast %add3A_303 : vector<16xf32> to vector<1x16xf32>
        tpu.vector_store %arg7[%swap3A_304, %swap3A_305], %swap3A_308 {strides = array<i32>} : memref<64x256xf32, #tpu.memory_space<vmem>>, vector<1x16xf32>,
        %get3A_309 = arith.index_cast %scan3A_224 : i32 to index
        %get3A_310 = arith.constant 112 : index
        %get3A_311 = tpu.vector_load %arg5[%get3A_309, %get3A_310] {strides = array<i32>} : memref<64x256xf32, #tpu.memory_space<vmem>>, vector<1x16xf32>,
        %get3A_312 = vector.shape_cast %get3A_311 : vector<1x16xf32> to vector<16xf32>
        %add3A_313 = arith.addf %get3A_312, %scan3A_232 : vector<16xf32>
        %swap3A_314 = arith.index_cast %scan3A_224 : i32 to index
        %swap3A_315 = arith.constant 112 : index
        %swap3A_316 = tpu.vector_load %arg7[%swap3A_314, %swap3A_315] {strides = array<i32>} : memref<64x256xf32, #tpu.memory_space<vmem>>, vector<1x16xf32>,
        %swap3A_317 = vector.shape_cast %swap3A_316 : vector<1x16xf32> to vector<16xf32>
        %swap3A_318 = vector.shape_cast %add3A_313 : vector<16xf32> to vector<1x16xf32>
        tpu.vector_store %arg7[%swap3A_314, %swap3A_315], %swap3A_318 {strides = array<i32>} : memref<64x256xf32, #tpu.memory_space<vmem>>, vector<1x16xf32>,
        %get3A_319 = arith.index_cast %scan3A_224 : i32 to index
        %get3A_320 = arith.constant 128 : index
        %get3A_321 = tpu.vector_load %arg5[%get3A_319, %get3A_320] {strides = array<i32>} : memref<64x256xf32, #tpu.memory_space<vmem>>, vector<1x16xf32>,
        %get3A_322 = vector.shape_cast %get3A_321 : vector<1x16xf32> to vector<16xf32>
        %add3A_323 = arith.addf %get3A_322, %scan3A_233 : vector<16xf32>
        %swap3A_324 = arith.index_cast %scan3A_224 : i32 to index
        %swap3A_325 = arith.constant 128 : index
        %swap3A_326 = tpu.vector_load %arg7[%swap3A_324, %swap3A_325] {strides = array<i32>} : memref<64x256xf32, #tpu.memory_space<vmem>>, vector<1x16xf32>,
        %swap3A_327 = vector.shape_cast %swap3A_326 : vector<1x16xf32> to vector<16xf32>
        %swap3A_328 = vector.shape_cast %add3A_323 : vector<16xf32> to vector<1x16xf32>
        tpu.vector_store %arg7[%swap3A_324, %swap3A_325], %swap3A_328 {strides = array<i32>} : memref<64x256xf32, #tpu.memory_space<vmem>>, vector<1x16xf32>,
        %get3A_329 = arith.index_cast %scan3A_224 : i32 to index
        %get3A_330 = arith.constant 144 : index
        %get3A_331 = tpu.vector_load %arg5[%get3A_329, %get3A_330] {strides = array<i32>} : memref<64x256xf32, #tpu.memory_space<vmem>>, vector<1x16xf32>,
        %get3A_332 = vector.shape_cast %get3A_331 : vector<1x16xf32> to vector<16xf32>
        %add3A_333 = arith.addf %get3A_332, %scan3A_234 : vector<16xf32>
        %swap3A_334 = arith.index_cast %scan3A_224 : i32 to index
        %swap3A_335 = arith.constant 144 : index
        %swap3A_336 = tpu.vector_load %arg7[%swap3A_334, %swap3A_335] {strides = array<i32>} : memref<64x256xf32, #tpu.memory_space<vmem>>, vector<1x16xf32>,
        %swap3A_337 = vector.shape_cast %swap3A_336 : vector<1x16xf32> to vector<16xf32>
        %swap3A_338 = vector.shape_cast %add3A_333 : vector<16xf32> to vector<1x16xf32>
        tpu.vector_store %arg7[%swap3A_334, %swap3A_335], %swap3A_338 {strides = array<i32>} : memref<64x256xf32, #tpu.memory_space<vmem>>, vector<1x16xf32>,
        %get3A_339 = arith.index_cast %scan3A_224 : i32 to index
        %get3A_340 = arith.constant 160 : index
        %get3A_341 = tpu.vector_load %arg5[%get3A_339, %get3A_340] {strides = array<i32>} : memref<64x256xf32, #tpu.memory_space<vmem>>, vector<1x16xf32>,
        %get3A_342 = vector.shape_cast %get3A_341 : vector<1x16xf32> to vector<16xf32>
        %add3A_343 = arith.addf %get3A_342, %scan3A_235 : vector<16xf32>
        %swap3A_344 = arith.index_cast %scan3A_224 : i32 to index
        %swap3A_345 = arith.constant 160 : index
        %swap3A_346 = tpu.vector_load %arg7[%swap3A_344, %swap3A_345] {strides = array<i32>} : memref<64x256xf32, #tpu.memory_space<vmem>>, vector<1x16xf32>,
        %swap3A_347 = vector.shape_cast %swap3A_346 : vector<1x16xf32> to vector<16xf32>
        %swap3A_348 = vector.shape_cast %add3A_343 : vector<16xf32> to vector<1x16xf32>
        tpu.vector_store %arg7[%swap3A_344, %swap3A_345], %swap3A_348 {strides = array<i32>} : memref<64x256xf32, #tpu.memory_space<vmem>>, vector<1x16xf32>,
        %get3A_349 = arith.index_cast %scan3A_224 : i32 to index
        %get3A_350 = arith.constant 176 : index
        %get3A_351 = tpu.vector_load %arg5[%get3A_349, %get3A_350] {strides = array<i32>} : memref<64x256xf32, #tpu.memory_space<vmem>>, vector<1x16xf32>,
        %get3A_352 = vector.shape_cast %get3A_351 : vector<1x16xf32> to vector<16xf32>
        %add3A_353 = arith.addf %get3A_352, %scan3A_236 : vector<16xf32>
        %swap3A_354 = arith.index_cast %scan3A_224 : i32 to index
        %swap3A_355 = arith.constant 176 : index
        %swap3A_356 = tpu.vector_load %arg7[%swap3A_354, %swap3A_355] {strides = array<i32>} : memref<64x256xf32, #tpu.memory_space<vmem>>, vector<1x16xf32>,
        %swap3A_357 = vector.shape_cast %swap3A_356 : vector<1x16xf32> to vector<16xf32>
        %swap3A_358 = vector.shape_cast %add3A_353 : vector<16xf32> to vector<1x16xf32>
        tpu.vector_store %arg7[%swap3A_354, %swap3A_355], %swap3A_358 {strides = array<i32>} : memref<64x256xf32, #tpu.memory_space<vmem>>, vector<1x16xf32>,
        %get3A_359 = arith.index_cast %scan3A_224 : i32 to index
        %get3A_360 = arith.constant 192 : index
        %get3A_361 = tpu.vector_load %arg5[%get3A_359, %get3A_360] {strides = array<i32>} : memref<64x256xf32, #tpu.memory_space<vmem>>, vector<1x16xf32>,
        %get3A_362 = vector.shape_cast %get3A_361 : vector<1x16xf32> to vector<16xf32>
        %add3A_363 = arith.addf %get3A_362, %scan3A_237 : vector<16xf32>
        %swap3A_364 = arith.index_cast %scan3A_224 : i32 to index
        %swap3A_365 = arith.constant 192 : index
        %swap3A_366 = tpu.vector_load %arg7[%swap3A_364, %swap3A_365] {strides = array<i32>} : memref<64x256xf32, #tpu.memory_space<vmem>>, vector<1x16xf32>,
        %swap3A_367 = vector.shape_cast %swap3A_366 : vector<1x16xf32> to vector<16xf32>
        %swap3A_368 = vector.shape_cast %add3A_363 : vector<16xf32> to vector<1x16xf32>
        tpu.vector_store %arg7[%swap3A_364, %swap3A_365], %swap3A_368 {strides = array<i32>} : memref<64x256xf32, #tpu.memory_space<vmem>>, vector<1x16xf32>,
        %get3A_369 = arith.index_cast %scan3A_224 : i32 to index
        %get3A_370 = arith.constant 208 : index
        %get3A_371 = tpu.vector_load %arg5[%get3A_369, %get3A_370] {strides = array<i32>} : memref<64x256xf32, #tpu.memory_space<vmem>>, vector<1x16xf32>,
        %get3A_372 = vector.shape_cast %get3A_371 : vector<1x16xf32> to vector<16xf32>
        %add3A_373 = arith.addf %get3A_372, %scan3A_238 : vector<16xf32>
        %swap3A_374 = arith.index_cast %scan3A_224 : i32 to index
        %swap3A_375 = arith.constant 208 : index
        %swap3A_376 = tpu.vector_load %arg7[%swap3A_374, %swap3A_375] {strides = array<i32>} : memref<64x256xf32, #tpu.memory_space<vmem>>, vector<1x16xf32>,
        %swap3A_377 = vector.shape_cast %swap3A_376 : vector<1x16xf32> to vector<16xf32>
        %swap3A_378 = vector.shape_cast %add3A_373 : vector<16xf32> to vector<1x16xf32>
        tpu.vector_store %arg7[%swap3A_374, %swap3A_375], %swap3A_378 {strides = array<i32>} : memref<64x256xf32, #tpu.memory_space<vmem>>, vector<1x16xf32>,
        %get3A_379 = arith.index_cast %scan3A_224 : i32 to index
        %get3A_380 = arith.constant 224 : index
        %get3A_381 = tpu.vector_load %arg5[%get3A_379, %get3A_380] {strides = array<i32>} : memref<64x256xf32, #tpu.memory_space<vmem>>, vector<1x16xf32>,
        %get3A_382 = vector.shape_cast %get3A_381 : vector<1x16xf32> to vector<16xf32>
        %add3A_383 = arith.addf %get3A_382, %scan3A_239 : vector<16xf32>
        %swap3A_384 = arith.index_cast %scan3A_224 : i32 to index
        %swap3A_385 = arith.constant 224 : index
        %swap3A_386 = tpu.vector_load %arg7[%swap3A_384, %swap3A_385] {strides = array<i32>} : memref<64x256xf32, #tpu.memory_space<vmem>>, vector<1x16xf32>,
        %swap3A_387 = vector.shape_cast %swap3A_386 : vector<1x16xf32> to vector<16xf32>
        %swap3A_388 = vector.shape_cast %add3A_383 : vector<16xf32> to vector<1x16xf32>
        tpu.vector_store %arg7[%swap3A_384, %swap3A_385], %swap3A_388 {strides = array<i32>} : memref<64x256xf32, #tpu.memory_space<vmem>>, vector<1x16xf32>,
        %get3A_389 = arith.index_cast %scan3A_224 : i32 to index
        %get3A_390 = arith.constant 240 : index
        %get3A_391 = tpu.vector_load %arg5[%get3A_389, %get3A_390] {strides = array<i32>} : memref<64x256xf32, #tpu.memory_space<vmem>>, vector<1x16xf32>,
        %get3A_392 = vector.shape_cast %get3A_391 : vector<1x16xf32> to vector<16xf32>
        %add3A_393 = arith.addf %get3A_392, %scan3A_240 : vector<16xf32>
        %swap3A_394 = arith.index_cast %scan3A_224 : i32 to index
        %swap3A_395 = arith.constant 240 : index
        %swap3A_396 = tpu.vector_load %arg7[%swap3A_394, %swap3A_395] {strides = array<i32>} : memref<64x256xf32, #tpu.memory_space<vmem>>, vector<1x16xf32>,
        %swap3A_397 = vector.shape_cast %swap3A_396 : vector<1x16xf32> to vector<16xf32>
        %swap3A_398 = vector.shape_cast %add3A_393 : vector<16xf32> to vector<1x16xf32>
        tpu.vector_store %arg7[%swap3A_394, %swap3A_395], %swap3A_398 {strides = array<i32>} : memref<64x256xf32, #tpu.memory_space<vmem>>, vector<1x16xf32>,
        scf.yield %add3A_244, %add3A_253, %add3A_263, %add3A_273, %add3A_283, %add3A_293, %add3A_303, %add3A_313, %add3A_323, %add3A_333, %add3A_343, %add3A_353, %add3A_363, %add3A_373, %add3A_383, %add3A_393 : vector<16xf32>, vector<16xf32>, vector<16xf32>, vector<16xf32>, vector<16xf32>, vector<16xf32>, vector<16xf32>, vector<16xf32>, vector<16xf32>, vector<16xf32>, vector<16xf32>, vector<16xf32>, vector<16xf32>, vector<16xf32>, vector<16xf32>, vector<16xf32>
      }
      %scan3A_210 = arith.constant 64 : i32
      %mul3A_211 = arith.constant 64 : i32
      %mul3A_212 = arith.muli %add3A_159, %mul3A_211 : i32
      %dma_start3A_213 = tpu.memref_slice %arg3[%select_n3A, %mul3A_212, %mul3A_32] : memref<4x8192x2048xf32, #tpu.memory_space<hbm>> -> memref<1x64x256xf32, #tpu.memory_space<hbm>>
      %dma_start3A_214 = tpu.memref_squeeze %dma_start3A_213 : memref<1x64x256xf32, #tpu.memory_space<hbm>> -> memref<64x256xf32, #tpu.memory_space<hbm>>
      %dma_start3A_215 = tpu.memref_slice %arg3[%select_n3A, %mul3A_212, %mul3A_32] : memref<4x8192x2048xf32, #tpu.memory_space<hbm>> -> memref<1x64x256xf32, #tpu.memory_space<hbm>>
      %dma_start3A_216 = tpu.memref_squeeze %dma_start3A_215 : memref<1x64x256xf32, #tpu.memory_space<hbm>> -> memref<64x256xf32, #tpu.memory_space<hbm>>
      tpu.enqueue_dma source(%arg7 : memref<64x256xf32, #tpu.memory_space<vmem>>) target(%dma_start3A_216 : memref<64x256xf32, #tpu.memory_space<hbm>>) target_semaphore(%arg11 : memref<!tpu.dma_semaphore, #tpu.memory_space<semaphore_mem>>)
      %add3A_217 = arith.constant 2 : i32
      %add3A_218 = arith.addi %add3A_159, %add3A_217 : i32
      %lt3A_219 = arith.constant 128 : i32
      %lt3A_220 = arith.cmpi slt, %add3A_218, %lt3A_219 : i32
      %convert_element_type3A_221 = arith.extui %lt3A_220 : i1 to i32
      %cond3A_222 = arith.constant 0 : i32
      %cond3A_223 = arith.cmpi ne, %convert_element_type3A_221, %cond3A_222 : i32
      scf.if %cond3A_223 {
        %add3A_224 = arith.constant 2 : i32
        %add3A_225 = arith.addi %add3A_159, %add3A_224 : i32
        %mul3A_226 = arith.constant 64 : i32
        %mul3A_227 = arith.muli %add3A_225, %mul3A_226 : i32
        %dma_start3A_228 = tpu.memref_slice %arg2[%select_n3A, %mul3A_227, %mul3A_32] : memref<4x8192x2048xf32, #tpu.memory_space<hbm>> -> memref<1x64x256xf32, #tpu.memory_space<hbm>>
        %dma_start3A_229 = tpu.memref_squeeze %dma_start3A_228 : memref<1x64x256xf32, #tpu.memory_space<hbm>> -> memref<64x256xf32, #tpu.memory_space<hbm>>
        %dma_start3A_230 = tpu.memref_slice %arg2[%select_n3A, %mul3A_227, %mul3A_32] : memref<4x8192x2048xf32, #tpu.memory_space<hbm>> -> memref<1x64x256xf32, #tpu.memory_space<hbm>>
        %dma_start3A_231 = tpu.memref_squeeze %dma_start3A_230 : memref<1x64x256xf32, #tpu.memory_space<hbm>> -> memref<64x256xf32, #tpu.memory_space<hbm>>
        tpu.enqueue_dma source(%dma_start3A_231 : memref<64x256xf32, #tpu.memory_space<hbm>>) target(%arg5 : memref<64x256xf32, #tpu.memory_space<vmem>>) target_semaphore(%arg9 : memref<!tpu.dma_semaphore, #tpu.memory_space<semaphore_mem>>)
      } else {
      }
      scf.yield %scan3A_209#0, %scan3A_209#1, %scan3A_209#2, %scan3A_209#3, %scan3A_209#4, %scan3A_209#5, %scan3A_209#6, %scan3A_209#7, %scan3A_209#8, %scan3A_209#9, %scan3A_209#10, %scan3A_209#11, %scan3A_209#12, %scan3A_209#13, %scan3A_209#14, %scan3A_209#15 : vector<16xf32>, vector<16xf32>, vector<16xf32>, vector<16xf32>, vector<16xf32>, vector<16xf32>, vector<16xf32>, vector<16xf32>, vector<16xf32>, vector<16xf32>, vector<16xf32>, vector<16xf32>, vector<16xf32>, vector<16xf32>, vector<16xf32>, vector<16xf32>
    }
    %scan3A_126 = arith.constant 63 : i32
    %dma_wait3A_127 = arith.constant 8064 : i32
    %dma_wait3A_128 = tpu.memref_slice %arg3[%select_n3A, %dma_wait3A_127, %mul3A_32] : memref<4x8192x2048xf32, #tpu.memory_space<hbm>> -> memref<1x64x256xf32, #tpu.memory_space<hbm>>
    %dma_wait3A_129 = tpu.memref_squeeze %dma_wait3A_128 : memref<1x64x256xf32, #tpu.memory_space<hbm>> -> memref<64x256xf32, #tpu.memory_space<hbm>>
    %dma_wait3A_130 = arith.constant 8064 : i32
    %dma_wait3A_131 = tpu.memref_slice %arg3[%select_n3A, %dma_wait3A_130, %mul3A_32] : memref<4x8192x2048xf32, #tpu.memory_space<hbm>> -> memref<1x64x256xf32, #tpu.memory_space<hbm>>
    %dma_wait3A_132 = tpu.memref_squeeze %dma_wait3A_131 : memref<1x64x256xf32, #tpu.memory_space<hbm>> -> memref<64x256xf32, #tpu.memory_space<hbm>>
    tpu.wait_dma2 semaphore(%arg10 : memref<!tpu.dma_semaphore, #tpu.memory_space<semaphore_mem>>) src(%arg6 : memref<64x256xf32, #tpu.memory_space<vmem>>) dst(%dma_wait3A_132 : memref<64x256xf32, #tpu.memory_space<hbm>>)
    %dma_wait3A_133 = arith.constant 8128 : i32
    %dma_wait3A_134 = tpu.memref_slice %arg3[%select_n3A, %dma_wait3A_133, %mul3A_32] : memref<4x8192x2048xf32, #tpu.memory_space<hbm>> -> memref<1x64x256xf32, #tpu.memory_space<hbm>>
    %dma_wait3A_135 = tpu.memref_squeeze %dma_wait3A_134 : memref<1x64x256xf32, #tpu.memory_space<hbm>> -> memref<64x256xf32, #tpu.memory_space<hbm>>
    %dma_wait3A_136 = arith.constant 8128 : i32
    %dma_wait3A_137 = tpu.memref_slice %arg3[%select_n3A, %dma_wait3A_136, %mul3A_32] : memref<4x8192x2048xf32, #tpu.memory_space<hbm>> -> memref<1x64x256xf32, #tpu.memory_space<hbm>>
    %dma_wait3A_138 = tpu.memref_squeeze %dma_wait3A_137 : memref<1x64x256xf32, #tpu.memory_space<hbm>> -> memref<64x256xf32, #tpu.memory_space<hbm>>
    tpu.wait_dma2 semaphore(%arg11 : memref<!tpu.dma_semaphore, #tpu.memory_space<semaphore_mem>>) src(%arg7 : memref<64x256xf32, #tpu.memory_space<vmem>>) dst(%dma_wait3A_138 : memref<64x256xf32, #tpu.memory_space<hbm>>)
    return
  }
}

</mosaic_0001>

<sc_bundles>
// kernel: kernel.3.cloned.1.call-start
scs
__scs_entry_jumppad:
0x0: {  	(pc) =	sbr.rel $0x88, $3  }
0x1: {  	(tag) =	ssettag $0x0;
	lr =	simm.s32 $0x1  }
0x2: {  	[smem:$0x3FA0] =	sst lr;
	_ =	strace $0xD0000000  }
0x3: {  	_ = 	snop  }
0x4: {  	_ = 	snop  }
0x5: {  	_ = 	snop  }
0x6: {  	_ = 	snop  }
0x7: {  	_ = 	snop  }
__scs_overlays_trampoline_lowered:
0x8: {  	[smem:$0x3FAF] =	sst s0  }
0x9: {  	[smem:$0x3FB0] =	sst s1  }
0xa: {  	[smem:$0x3FB1] =	sst s2  }
0xb: {  	[smem:$0x3FB2] =	sst s3  }
0xc: {  	[smem:$0x3FB3] =	sst s4  }
0xd: {  	[smem:$0x3FB4] =	sst s5  }
0xe: {  	[smem:$0x3FB5] =	sst s6  }
0xf: {  	[smem:$0x3FB6] =	sst s7  }
0x10: {  	[smem:$0x3FB7] =	sst s8  }
0x11: {  	[smem:$0x3FB8] =	sst s9;
	s0 =	simm.s32 @!p0 $0x0  }
0x12: {  	s1 =	sld [smem:$0x3F9E];
	s0 =	simm.s32 @p0 $0x1  }
0x13: {  	[smem:$0x3FB9] =	sst s0;
	s0 =	simm.s32 @!p1 $0x0  }
0x14: {  	s2 =	sld [smem:$0x3F9D];
	s0 =	simm.s32 @p1 $0x1  }
0x15: {  	[smem:$0x3FBA] =	sst s0;
	s0 =	simm.s32 @!p2 $0x0  }
0x16: {  	s3 =	sld [smem:$0x3FDB];
	s0 =	simm.s32 @p2 $0x1  }
0x17: {  	s4 =	simm.s32 $0x1BF5;
	[smem:$0x3FBC] =	sst s0  }
0x18: {  	s0 =	sld [smem:$0x3F9F];
	_ =	swait.ge [sflag:s4], $0x0  }
0x19: {  	s7 =	sld [smem:$0x3FA0]  }
0x1a: {  	s8 =	sadd.s32 $0xFFFFE003, lr  }
0x1b: {  	s9 =	sadd.s32 $0xFFFFFEF7, lr;
	s5 =	simm.s32 $0xFFFFFFFF;
	p2 =	slt.u32 s8, $0xFFFFF086  }
0x1c: {  	p1 =	slt.u32 s9, $0xF7A;
	s5 =	simm.s32 @!p2 $0x0  }
0x1d: {  	s5 =	simm.s32 @p1 $0x1;
	p0 =	seq.s32 s7, s2  }
0x1e: {  	s7 =	smul.u32 @!p0 $0xF7A, s2;
	p2 =	seq.s32 @!p0 s5, $0x0  }
0x1f: {  	s9 =	smul.u32 $0xF7A, s1;
	s8 =	simm.s32 @!p0 $0x1BF5;
	p2 =	por !p2, p0  }
0x20: {  	[sflag:s8] =	ssyncset.s32 @!p0 $0xFFFFF086;
	s6 =	sadd.s32 @!p0 s3, s7;
	s7 =	simm.s32 @!p0 $0x108  }
0x21: {  	s3 =	sadd.s32 s3, s9;
	s6 =	sadd.s32 @!p0 $0x88, s6;
	s7 =	simm.s32 @p2 $0x1082  }
0x22: {  	[simem:s7], [sflag:s8] =	dma.local @!p0 [hbm:s6], $0xF7A  }
0x23: {  	s9 =	sor.u32 $0xD0000000, s2;
	s6 =	simm.s32 $0x108;
	_ =	swait.ge @!p0 [sflag:s8], $0x0  }
0x24: {  	s3 =	sadd.s32 $0x88, s3;
	s6 =	simm.s32 @!p1 $0x1082;
	[sflag:s4] =	ssyncset.s32 $0xFFFFF086  }
0x25: {  	[simem:s6], [sflag:s4] =	dma.local [hbm:s3], $0xF7A  }
0x26: {  	[smem:$0x3FA0] =	sst s1;
	(tag) =	ssettag s2;
	_ =	strace s9  }
0x27: {  	s1 =	sld [smem:$0x3FB0]  }
0x28: {  	s2 =	sld [smem:$0x3FB1]  }
0x29: {  	s4 =	sld [smem:$0x3FB3]  }
0x2a: {  	p0 =	seq.s32 s5, $0x0;
	s5 =	sld [smem:$0x3FB4]  }
0x2b: {  	s6 =	sld [smem:$0x3FB5]  }
0x2c: {  	s7 =	sld [smem:$0x3FB6]  }
0x2d: {  	s3 =	simm.s32 $0x108;
	s8 =	sld [smem:$0x3FB7]  }
0x2e: {  	s3 =	simm.s32 @!p0 $0x1082;
	s9 =	sld [smem:$0x3FB8]  }
0x2f: {  	lr =	sadd.s32 s0, s3;
	s0 =	sld [smem:$0x3FAF]  }
0x30: {  	s3 =	sld [smem:$0x3FB2]  }
0x31: {  	[smem:$0x3FBB] =	sst s10  }
0x32: {  	s10 =	sld [smem:$0x3FB9];
	_ =	sdelay $0x3  }
0x33: {  	p0 =	seq.s32 s10, $0x1;
	s10 =	sld [smem:$0x3FBB];
	_ =	sdelay $0x3  }
0x34: {  	[smem:$0x3FBB] =	sst s10  }
0x35: {  	s10 =	sld [smem:$0x3FBA];
	_ =	sdelay $0x3  }
0x36: {  	p1 =	seq.s32 s10, $0x1;
	s10 =	sld [smem:$0x3FBB];
	_ =	sdelay $0x3  }
0x37: {  	[smem:$0x3FBB] =	sst s10  }
0x38: {  	s10 =	sld [smem:$0x3FBC]  }
0x39: {  	_ = 	snop;
	(pc) =	sbr.ind lr, $3  }
0x3a: {  	_ = 	snop  }
0x3b: {  	_ = 	snop  }
0x3c: {  	p2 =	seq.s32 s10, $0x1;
	s10 =	sld [smem:$0x3FBB]  }
0x3d: {  	_ =	shalt  }
0x3e: {  	_ =	shalt  }
0x3f: {  	_ =	shalt  }
0x40: {  	_ =	shalt  }
0x41: {  	_ =	shalt  }
0x42: {  	_ =	shalt  }
0x43: {  	_ =	shalt  }
0x44: {  	_ =	shalt  }
0x45: {  	_ =	shalt  }
0x46: {  	_ =	shalt  }
0x47: {  	_ =	shalt  }
0x48: {  	_ =	shalt  }
0x49: {  	_ =	shalt  }
0x4a: {  	_ =	shalt  }
0x4b: {  	_ =	shalt  }
0x4c: {  	_ =	shalt  }
0x4d: {  	_ =	shalt  }
0x4e: {  	_ =	shalt  }
0x4f: {  	_ =	shalt  }
0x50: {  	_ =	shalt  }
0x51: {  	_ =	shalt  }
0x52: {  	_ =	shalt  }
0x53: {  	_ =	shalt  }
0x54: {  	_ =	shalt  }
0x55: {  	_ =	shalt  }
0x56: {  	_ =	shalt  }
0x57: {  	_ =	shalt  }
0x58: {  	_ =	shalt  }
0x59: {  	_ =	shalt  }
0x5a: {  	_ =	shalt  }
0x5b: {  	_ =	shalt  }
0x5c: {  	_ =	shalt  }
0x5d: {  	_ =	shalt  }
0x5e: {  	_ =	shalt  }
0x5f: {  	_ =	shalt  }
0x60: {  	_ =	shalt  }
0x61: {  	_ =	shalt  }
0x62: {  	_ =	shalt  }
0x63: {  	_ =	shalt  }
0x64: {  	_ =	shalt  }
0x65: {  	_ =	shalt  }
0x66: {  	_ =	shalt  }
0x67: {  	_ =	shalt  }
0x68: {  	_ =	shalt  }
0x69: {  	_ =	shalt  }
0x6a: {  	_ =	shalt  }
0x6b: {  	_ =	shalt  }
0x6c: {  	_ =	shalt  }
0x6d: {  	_ =	shalt  }
0x6e: {  	_ =	shalt  }
0x6f: {  	_ =	shalt  }
0x70: {  	_ =	shalt  }
0x71: {  	_ =	shalt  }
0x72: {  	_ =	shalt  }
0x73: {  	_ =	shalt  }
0x74: {  	_ =	shalt  }
0x75: {  	_ =	shalt  }
0x76: {  	_ =	shalt  }
0x77: {  	_ =	shalt  }
0x78: {  	_ =	shalt  }
0x79: {  	_ =	shalt  }
0x7a: {  	_ =	shalt  }
0x7b: {  	_ =	shalt  }
0x7c: {  	_ =	shalt  }
0x7d: {  	_ =	shalt  }
0x7e: {  	_ =	shalt  }
0x7f: {  	_ =	shalt  }
0x80: {  	_ =	shalt  }
0x81: {  	_ =	shalt  }
0x82: {  	_ =	shalt  }
0x83: {  	_ =	shalt  }
0x84: {  	_ =	shalt  }
0x85: {  	_ =	shalt  }
0x86: {  	_ =	shalt  }
0x87: {  	_ =	shalt  }
.Lfunc_end0:
.L_simem_size_0:
called_computation_lowered:
.L_overlay_start_0:
0x88: {  	s2 =	sld [smem:$0x3FD9]  }
0x89: {  	s3 =	sld [smem:$0x3FFE];
	_ =	sdelay $0x1  }
0x8a: {  	s1 =	srdreg.scid  }
0x8b: {  	s0 =	sand.u32 $0x1, s1  }
0x8c: {  	s18 =	sshll.u32 s0, $0xA;
	s2 =	sadd.s32 s3, s2  }
0x8d: {  	s2 =	sadd.s32 s2, s18  }
0x8e: {  	[smem:$0x3FC7] =	sst s2  }
0x8f: {  	_ = 	snop  }
0x90: {  	s2 =	sld [smem:$0x3FC9]  }
0x91: {  	s19 =	sld [smem:$0x3FD0];
	(tm) =	ssettm $0x1  }
0x92: {  	s4 =	sld [smem:$0x3FFB];
	_ =	sdelay $0x3  }
0x93: {  	_ =	strace s4  }
0x94: {  	s4 =	sld [smem:$0x3FFC];
	_ =	sdelay $0x3  }
0x95: {  	_ =	strace s4  }
0x96: {  	s4 =	sld [smem:$0x3FFD];
	_ =	sdelay $0x3  }
0x97: {  	_ =	strace s4  }
0x98: {  	_ =	strace $0x8FFFFFFF  }
0x99: {  	s20 =	sld [smem:$0x3FDB];
	_ =	sdelay $0x1  }
0x9a: {  	s5 =	simm.s32 $_scs_section_size  }
0x9b: {  	s6 =	simm.s32 $_size__tile_overlayer_lowered;
	s7 =	simm.s32 $_tile_overlayer_lowered  }
0x9c: {  	s23 =	simm.s32 $0x1BFF;
	s22 =	sshll.u32 s7, $0x1;
	s4 =	sadd.s32 s5, s20  }
0x9d: {  	s8 =	simm.s32 $0x0;
	s21 =	sshll.u32 s6, $0x1;
	s6 =	sadd.s32 s22, s4  }
0x9e: {  	[timem:s8], [sflag:s23] =	dma.local [hbm:s6], s21  }
0x9f: {  	_ =	swait.ge [sflag:s23], s21  }
0xa0: {  	s5 =	ssub.s32 $0x0, s21;
	[sflag:s23] =	ssyncset.done $0x0  }
0xa1: {  	[sflag:s23] =	ssyncadd.s32 s5;
	_ =	sdelay $0x1  }
0xa2: {  	s24 =	simm.s32 $0x1B8B  }
0xa3: {  	_ =	swait.ge [sflag:s24], $0x1  }
0xa4: {  	[sflag:s24] =	ssyncset.done $0x0  }
0xa5: {  	s25 =	simm.s32 $0x1B8E;
	[sflag:s24] =	ssyncadd.s32 $0xFFFFFFFF  }
0xa6: {  	s26 =	simm.s32 $execute0_lowered;
	[smem:$0x3FD2] =	sst s25  }
0xa7: {  	s5 =	sshll.u32 s26, $0x1;
	_ =	strace $0x80000046;
	[dreg:$0x1] =	wrdreg $0xFFFFFFFF  }
0xa8: {  	s28 =	simm.s32 $_size_execute0_lowered;
	s4 =	sadd.s32 s4, s5;
	[dreg:$0x0] =	wrdreg $0x0  }
0xa9: {  	s5 =	sshll.u32 s28, $0x1;
	[dreg:$0x2] =	wrdreg s4  }
0xaa: {  	[dreg:$0x3] =	wrdreg s5  }
0xab: {  	[dreg:$0x4] =	wrdreg $0xC0  }
0xac: {  	_ =	task [dreg:s8], $0x5FFFF  }
0xad: {  	[dreg:$0x1] =	wrdreg $0xFFFFFFFF  }
0xae: {  	[dreg:$0x0] =	wrdreg $0x60  }
0xaf: {  	[dreg:$0x2] =	wrdreg s2  }
0xb0: {  	[dreg:$0x3] =	wrdreg s19  }
0xb1: {  	[dreg:$0x4] =	wrdreg $0x9  }
0xb2: {  	_ =	task.clear_ibuf [dreg:s8], $0x5FFFF;
	_ =	strace $0x90000046  }
0xb3: {  	s29 =	simm.s32 $0x9;
	_ =	strace $0x80000048  }
0xb4: {  	_ =	swait.ge [sflag:s29], $0x1  }
0xb5: {  	[sflag:s29] =	ssyncadd.s32 $0xFFFFFFFF  }
0xb6: {  	_ =	strace $0x90000048  }
0xb7: {  	_ =	sfence  }
0xb8: {  	s30 =	sld [smem:$0x0];
	_ =	sdelay $0x2  }
0xb9: {  	s31 =	sshll.u32 s1, $0xD;
	s1 =	sshrl.u32 s1, $0x2  }
0xba: {  	s3 =	sand.u32 $0x4000, s31;
	s1 =	sadd.s32 s1, s30  }
0xbb: {  	s0 =	sor.u32 s3, s0;
	s1 =	sshll.u32 s1, $0x11  }
0xbc: {  	s0 =	sor.u32 s1, s0  }
0xbd: {  	s0 =	sadd.s32 $0x8F2B, s0  }
0xbe: {  	[sflag:s0] =	ssyncadd.remote.s32 $0x1  }
0xbf: {  	_ =	sfence.sel $0xFFFF  }
0xc0: {  	[dreg:$0x0] =	wrdreg $0xFFFFFFFF;
	(pc) =	sbr.abs _section_cstart, $3  }
0xc1: {  	[dreg:$0x1] =	wrdreg $0xFFFFFFFF  }
0xc2: {  	_ =	task.clear_ibuf [dreg:s8], $0x2FFFF;
	_ =	strace $0x9FFFFFFF  }
0xc3: {  	(tm) =	ssettm $0x7FFFFFFF  }
tec
execute0_lowered:
.L_overlay_start_1:
0x0: {  	(tag) =	ssettag $0x1  }
0x1: {  	s0 =	stileid.u32  }
0x2: {  	s1 =	srdreg.scid;
	s2 =	rddreg [dreg:$0x0]  }
0x3: {  	s15 =	simm.s32 $0x800;
	s16 =	simm.s32 $0x4000;
	s17 =	simm.s32 $0x1  }
0x4: {  	s18 =	simm.s32 $0x8000;
	s19 =	simm.s32 $0x2;
	s20 =	simm.s32 $0xC000  }
0x5: {  	s21 =	simm.s32 $0x3;
	s22 =	simm.s32 $0x4;
	s3 =	sshll.u32 s0, $0x1  }
0x6: {  	s23 =	simm.s32 $0x0;
	s1 =	sand.u32 $0x1, s1;
	s4 =	sand.u32 $0x6, s3  }
0x7: {  	s5 =	sshll.u32 s0, $0x16;
	s3 =	rddreg [dreg:$0x1];
	s4 =	sor.u32 s1, s4  }
0x8: {  	s5 =	sand.u32 $0x3000000, s5;
	s1 =	ssub.s32 $0x2, s1;
	s6 =	sshll.u32 s4, $0xB  }
0x9: {  	s4 =	simm.s32 $0x0;
	s31 =	sshrl.u32 s1, $0x1;
	s5 =	sor.u32 s5, s6  }
.Ltmp0:
0xa: {  	[smem:$0x7FF] =	sst s4;
	s1 =	ssub.s32 s1, s31;
	(pc) =	sbr.rel .LBB2_1-.Ltmp0, $4  }
0xb: {  	s8 =	sshrl.u32 s5, $0x3;
	_ =	strace $0x80000047;
	s12 =	sor.u32 $0x40000, s5  }
0xc: {  	s13 =	sor.u32 $0x60000, s5;
	s14 =	smax.u32 s1, $0x1;
	s10 =	sor.u32 $0x4000, s8  }
0xd: {  	s6 =	sadd.s32 s2, s8;
	s8 =	sadd.s32 s3, s8;
	s7 =	sadd.s32 s2, s10  }
0xe: {  	s9 =	sadd.s32 $0x8000, s6;
	s10 =	sadd.s32 s3, s10;
	s11 =	sadd.s32 $0xC000, s6  }
.LBB2_12:
0xf: {  	s23 =	sadd.s32 $0x1, s23  }
0x10: {  	_ =	swait.ge [sflag:s21], $0x4000;
	p0 =	sne.s32 s23, s14  }
.Ltmp1:
0x11: {  	[sflag:s21] =	ssyncset.done $0x0;
	(pc) =	sbr.rel @!p0 .LBB2_13-.Ltmp1, $4  }
0x12: {  	[sflag:s21] =	ssyncadd.s32 $0xFFFFC000  }
0x13: {  	_ =	swait.ge [sflag:s22], $0x4000  }
0x14: {  	[sflag:s22] =	ssyncset.done $0x0  }
0x15: {  	[sflag:s22] =	ssyncadd.s32 $0xFFFFC000  }
.LBB2_1:
0x16: {  	[tilespmem:s4], [sflag:$0x1] =	stream.strided.gather [hbm4b:s6+s15], $0x4000, s16, s15, $0x38;
	[tilespmem:$0x10000] =	vst v63  }
0x17: {  	_ = 	snop  }
0x18: {  	[tilespmem:s16], [sflag:$0x2] =	stream.strided.gather [hbm4b:s7+s15], $0x4000, s16, s15, $0x38;
	[tilespmem:$0x10000] =	vst v63  }
0x19: {  	_ =	swait.ge [sflag:s17], $0x4000  }
0x1a: {  	s1 =	sand.u32 $0x3800, s4;
	s24 =	sand.u32 $0x380, s4;
	[sflag:s17] =	ssyncset.done $0x0  }
0x1b: {  	s24 =	sor.u32 s24, s1;
	[sflag:s17] =	ssyncadd.s32 $0xFFFFC000  }
0x1c: {  	v0 =	vld [tilespmem:s24+$0x470]  }
0x1d: {  	v2 =	vld [tilespmem:s24+$0x0]  }
0x1e: {  	v3 =	vld [tilespmem:s24+$0x10]  }
0x1f: {  	v4 =	vld [tilespmem:s24+$0x20]  }
0x20: {  	v10 =	vimm.f32 $0.0e+00;
	v5 =	vld [tilespmem:s24+$0x30]  }
0x21: {  	v6 =	vld [tilespmem:s24+$0x40];
	v1 =	vadd.f32 v0, v10  }
0x22: {  	v7 =	vld [tilespmem:s24+$0x60];
	v2 =	vadd.f32 v2, v10  }
0x23: {  	v0 =	vld [tilespmem:s24+$0x50];
	v9 =	vadd.f32 v3, v10;
	[tilespmem:s24+$0x8470] =	vst v1  }
0x24: {  	v8 =	vld [tilespmem:s24+$0x70];
	v3 =	vadd.f32 v4, v10;
	[tilespmem:s24+$0x8000] =	vst v2  }
0x25: {  	v11 =	vld [tilespmem:s24+$0x400];
	v4 =	vadd.f32 v5, v10;
	[tilespmem:s24+$0x8010] =	vst v9  }
0x26: {  	v18 =	vld [tilespmem:s24+$0x410];
	v5 =	vadd.f32 v6, v10;
	[tilespmem:s24+$0x8020] =	vst v3  }
0x27: {  	v16 =	vld [tilespmem:s24+$0x420];
	v7 =	vadd.f32 v7, v10;
	[tilespmem:s24+$0x8030] =	vst v4  }
0x28: {  	v14 =	vimm.f32 $0.0e+00;
	v17 =	vld [tilespmem:s24+$0x430];
	[tilespmem:s24+$0x8040] =	vst v5;
	v6 =	vadd.f32 v0, v10  }
0x29: {  	s31 =	simm.s32 $0x100;
	s25 =	simm.s32 $0x80;
	v12 =	vimm.f32 $0.0e+00;
	v15 =	vimm.f32 $0.0e+00;
	v19 =	vld [tilespmem:s24+$0x440];
	[tilespmem:s24+$0x8060] =	vst v7;
	v0 =	vadd.f32 v8, v10  }
0x2a: {  	s26 =	simm.s32 $0x200;
	v13 =	vimm.f32 $0.0e+00;
	s28 =	sand.u32 $0x3800, s31;
	s29 =	sand.u32 $0x380, s25;
	v20 =	vld [tilespmem:s24+$0x450];
	v8 =	vadd.f32 v11, v10;
	v11 =	vimm.f32 $0.0e+00;
	[tilespmem:s24+$0x8050] =	vst v6  }
.LBB2_2:
0x2b: {  	p0 =	sne.s32 s26, $0x3F00;
	s1 =	sor.u32 s29, s28;
	[tilespmem:s24+$0x8070] =	vst v0;
	v10 =	vadd.f32 v18, v10;
	v18 =	vld [tilespmem:s24+$0x460]  }
0x2c: {  	v21 =	vld [tilespmem:s1+$0x470];
	[tilespmem:s24+$0x8400] =	vst v8;
	v14 =	vadd.f32 v16, v14  }
0x2d: {  	v16 =	vld [tilespmem:s1+$0x0];
	[tilespmem:s24+$0x8410] =	vst v10;
	v12 =	vadd.f32 v17, v12  }
0x2e: {  	v17 =	vld [tilespmem:s1+$0x10];
	[tilespmem:s24+$0x8420] =	vst v14;
	v15 =	vadd.f32 v19, v15  }
0x2f: {  	v19 =	vld [tilespmem:s1+$0x20];
	[tilespmem:s24+$0x8430] =	vst v12;
	v13 =	vadd.f32 v20, v13  }
0x30: {  	v20 =	vld [tilespmem:s1+$0x30];
	[tilespmem:s24+$0x8440] =	vst v15;
	v11 =	vadd.f32 v18, v11  }
0x31: {  	v18 =	vld [tilespmem:s1+$0x40];
	v1 =	vadd.f32 v21, v1;
	[tilespmem:s24+$0x8450] =	vst v13  }
0x32: {  	v2 =	vadd.f32 v16, v2;
	v16 =	vld [tilespmem:s1+$0x50];
	[tilespmem:s24+$0x8460] =	vst v11;
	s24 =	smov.u32 s1  }
0x33: {  	v9 =	vadd.f32 v17, v9;
	v17 =	vld [tilespmem:s24+$0x60];
	[tilespmem:s24+$0x8470] =	vst v1  }
0x34: {  	[tilespmem:s24+$0x8000] =	vst v2;
	v3 =	vadd.f32 v19, v3;
	v19 =	vld [tilespmem:s24+$0x70]  }
0x35: {  	[tilespmem:s24+$0x8010] =	vst v9;
	v4 =	vadd.f32 v20, v4;
	v20 =	vld [tilespmem:s24+$0x400]  }
.Ltmp2:
0x36: {  	[tilespmem:s24+$0x8020] =	vst v3;
	v5 =	vadd.f32 v18, v5;
	v18 =	vld [tilespmem:s24+$0x410];
	(pc) =	sbr.rel @p0 .LBB2_2-.Ltmp2, $4  }
0x37: {  	[tilespmem:s24+$0x8030] =	vst v4;
	v6 =	vadd.f32 v16, v6;
	v16 =	vld [tilespmem:s24+$0x420]  }
0x38: {  	[tilespmem:s24+$0x8040] =	vst v5;
	v7 =	vadd.f32 v17, v7;
	v17 =	vld [tilespmem:s24+$0x430]  }
0x39: {  	s25 =	sadd.s32 $0x80, s25;
	[tilespmem:s24+$0x8050] =	vst v6;
	v0 =	vadd.f32 v19, v0;
	v19 =	vld [tilespmem:s24+$0x440]  }
0x3a: {  	s28 =	sand.u32 $0x3800, s26;
	s26 =	sadd.s32 $0x100, s26;
	s29 =	sand.u32 $0x380, s25;
	[tilespmem:s24+$0x8060] =	vst v7;
	v8 =	vadd.f32 v20, v8;
	v20 =	vld [tilespmem:s24+$0x450]  }
0x3b: {  	[tilespmem:s24+$0x8070] =	vst v0;
	s1 =	sor.u32 s29, s28;
	v21 =	vld [tilespmem:s24+$0x460];
	v10 =	vadd.f32 v18, v10  }
0x3c: {  	v22 =	vld [tilespmem:s1+$0x470];
	[tilespmem:s24+$0x8400] =	vst v8;
	v14 =	vadd.f32 v16, v14  }
0x3d: {  	v18 =	vld [tilespmem:s1+$0x0];
	[tilespmem:s24+$0x8410] =	vst v10;
	v12 =	vadd.f32 v17, v12  }
0x3e: {  	v16 =	vld [tilespmem:s1+$0x10];
	[tilespmem:s24+$0x8420] =	vst v14;
	v15 =	vadd.f32 v19, v15  }
0x3f: {  	v17 =	vld [tilespmem:s1+$0x20];
	[tilespmem:s24+$0x8430] =	vst v12;
	v13 =	vadd.f32 v20, v13  }
0x40: {  	v19 =	vld [tilespmem:s1+$0x30];
	[tilespmem:s24+$0x8440] =	vst v15;
	v11 =	vadd.f32 v21, v11  }
0x41: {  	v20 =	vld [tilespmem:s1+$0x40];
	[tilespmem:s24+$0x8450] =	vst v13;
	v21 =	vadd.f32 v22, v1  }
0x42: {  	v1 =	vld [tilespmem:s1+$0x50];
	v18 =	vadd.f32 v18, v2;
	[tilespmem:s24+$0x8460] =	vst v11  }
0x43: {  	v9 =	vadd.f32 v16, v9;
	v2 =	vld [tilespmem:s1+$0x60];
	[tilespmem:s1+$0x8470] =	vst v21  }
0x44: {  	[tilespmem:s1+$0x8000] =	vst v18;
	v16 =	vadd.f32 v17, v3;
	v3 =	vld [tilespmem:s1+$0x70]  }
0x45: {  	[tilespmem:s1+$0x8010] =	vst v9;
	v17 =	vadd.f32 v19, v4;
	v4 =	vld [tilespmem:s1+$0x400]  }
0x46: {  	[tilespmem:s1+$0x8020] =	vst v16;
	v20 =	vadd.f32 v20, v5;
	v5 =	vld [tilespmem:s1+$0x410]  }
0x47: {  	[tilespmem:s1+$0x8030] =	vst v17;
	v22 =	vadd.f32 v1, v6;
	v1 =	vld [tilespmem:s1+$0x420]  }
0x48: {  	v6 =	vld [tilespmem:s1+$0x450];
	[tilespmem:s1+$0x8040] =	vst v20;
	v23 =	vadd.f32 v2, v7  }
0x49: {  	v2 =	vld [tilespmem:s1+$0x430];
	[tilespmem:s1+$0x8050] =	vst v22;
	v24 =	vadd.f32 v3, v0  }
0x4a: {  	v0 =	vld [tilespmem:s1+$0x440];
	[tilespmem:s1+$0x8060] =	vst v23;
	v25 =	vadd.f32 v4, v8  }
0x4b: {  	v7 =	vld [tilespmem:s1+$0x460];
	[tilespmem:s1+$0x8070] =	vst v24;
	v4 =	vadd.f32 v5, v10  }
0x4c: {  	[tilespmem:s1+$0x8400] =	vst v25;
	v5 =	vadd.f32 v1, v14  }
0x4d: {  	v1 =	vadd.f32 v6, v13;
	[tilespmem:s1+$0x8410] =	vst v4  }
0x4e: {  	v3 =	vadd.f32 v2, v12;
	[tilespmem:s1+$0x8420] =	vst v5  }
0x4f: {  	v2 =	vadd.f32 v0, v15;
	[tilespmem:s1+$0x8450] =	vst v1  }
0x50: {  	v0 =	vadd.f32 v7, v11;
	[tilespmem:s1+$0x8430] =	vst v3  }
0x51: {  	[tilespmem:s1+$0x8440] =	vst v2  }
0x52: {  	[tilespmem:s1+$0x8460] =	vst v0  }
0x53: {  	[hbm4b:s8+s15] =	stream.strided.scatter [tilespmem:s18], [sflag:$0x3], $0x4000, s16, s15, $0x38;
	[tilespmem:$0x10000] =	vst v63  }
0x54: {  	s26 =	simm.s32 $0x0  }
0x55: {  	[tilespmem:s26], [sflag:$0x1] =	stream.strided.gather [hbm4b:s9+s15], $0x4000, s16, s15, $0x38;
	[tilespmem:$0x10000] =	vst v63  }
0x56: {  	_ =	swait.ge [sflag:s19], $0x4000  }
0x57: {  	s30 =	sand.u32 $0x3800, s26;
	s1 =	sand.u32 $0x380, s26;
	[sflag:s19] =	ssyncset.done $0x0  }
0x58: {  	s24 =	sor.u32 s1, s30;
	[sflag:s19] =	ssyncadd.s32 $0xFFFFC000  }
0x59: {  	v6 =	vld [tilespmem:s24+$0x4470]  }
0x5a: {  	v7 =	vld [tilespmem:s24+$0x4000]  }
0x5b: {  	v8 =	vld [tilespmem:s24+$0x4010]  }
0x5c: {  	v10 =	vld [tilespmem:s24+$0x4020]  }
0x5d: {  	v11 =	vld [tilespmem:s24+$0x4030]  }
0x5e: {  	v12 =	vld [tilespmem:s24+$0x4040];
	v6 =	vadd.f32 v6, v21  }
0x5f: {  	v14 =	vld [tilespmem:s24+$0x4050];
	v7 =	vadd.f32 v7, v18  }
0x60: {  	v15 =	vld [tilespmem:s24+$0x4060];
	v13 =	vadd.f32 v8, v9;
	[tilespmem:s24+$0xC470] =	vst v6  }
0x61: {  	v21 =	vld [tilespmem:s24+$0x4070];
	v8 =	vadd.f32 v10, v16;
	[tilespmem:s24+$0xC000] =	vst v7  }
0x62: {  	v26 =	vld [tilespmem:s24+$0x4400];
	v9 =	vadd.f32 v11, v17;
	[tilespmem:s24+$0xC010] =	vst v13  }
0x63: {  	v19 =	vld [tilespmem:s24+$0x4410];
	v10 =	vadd.f32 v12, v20;
	[tilespmem:s24+$0xC020] =	vst v8  }
0x64: {  	v16 =	vld [tilespmem:s24+$0x4420];
	v11 =	vadd.f32 v14, v22;
	[tilespmem:s24+$0xC030] =	vst v9  }
0x65: {  	v17 =	vld [tilespmem:s24+$0x4430];
	v12 =	vadd.f32 v15, v23;
	[tilespmem:s24+$0xC040] =	vst v10  }
0x66: {  	s31 =	simm.s32 $0x100;
	s25 =	simm.s32 $0x80;
	v18 =	vld [tilespmem:s24+$0x4440];
	[tilespmem:s24+$0xC050] =	vst v11;
	v14 =	vadd.f32 v21, v24  }
0x67: {  	s28 =	sand.u32 $0x3800, s31;
	s29 =	sand.u32 $0x380, s25;
	s26 =	simm.s32 $0x200;
	v15 =	vadd.f32 v26, v25;
	v20 =	vld [tilespmem:s24+$0x4450];
	[tilespmem:s24+$0xC060] =	vst v12  }
.LBB2_4:
0x68: {  	p0 =	sne.s32 s26, $0x3F00;
	s1 =	sor.u32 s29, s28;
	[tilespmem:s24+$0xC070] =	vst v14;
	v4 =	vadd.f32 v19, v4;
	v19 =	vld [tilespmem:s24+$0x4460]  }
0x69: {  	v21 =	vld [tilespmem:s1+$0x4470];
	[tilespmem:s24+$0xC400] =	vst v15;
	v5 =	vadd.f32 v16, v5  }
0x6a: {  	v16 =	vld [tilespmem:s1+$0x4000];
	[tilespmem:s24+$0xC410] =	vst v4;
	v3 =	vadd.f32 v17, v3  }
0x6b: {  	v17 =	vld [tilespmem:s1+$0x4010];
	[tilespmem:s24+$0xC420] =	vst v5;
	v2 =	vadd.f32 v18, v2  }
0x6c: {  	v18 =	vld [tilespmem:s1+$0x4020];
	[tilespmem:s24+$0xC430] =	vst v3;
	v1 =	vadd.f32 v20, v1  }
0x6d: {  	v20 =	vld [tilespmem:s1+$0x4030];
	[tilespmem:s24+$0xC440] =	vst v2;
	v0 =	vadd.f32 v19, v0  }
0x6e: {  	v19 =	vld [tilespmem:s1+$0x4040];
	v6 =	vadd.f32 v21, v6;
	[tilespmem:s24+$0xC450] =	vst v1  }
0x6f: {  	v7 =	vadd.f32 v16, v7;
	v16 =	vld [tilespmem:s1+$0x4050];
	[tilespmem:s24+$0xC460] =	vst v0;
	s24 =	smov.u32 s1  }
0x70: {  	v13 =	vadd.f32 v17, v13;
	v17 =	vld [tilespmem:s24+$0x4060];
	[tilespmem:s24+$0xC470] =	vst v6  }
0x71: {  	[tilespmem:s24+$0xC000] =	vst v7;
	v8 =	vadd.f32 v18, v8;
	v18 =	vld [tilespmem:s24+$0x4070]  }
0x72: {  	[tilespmem:s24+$0xC010] =	vst v13;
	v9 =	vadd.f32 v20, v9;
	v20 =	vld [tilespmem:s24+$0x4400]  }
.Ltmp3:
0x73: {  	[tilespmem:s24+$0xC020] =	vst v8;
	v10 =	vadd.f32 v19, v10;
	v19 =	vld [tilespmem:s24+$0x4410];
	(pc) =	sbr.rel @p0 .LBB2_4-.Ltmp3, $4  }
0x74: {  	[tilespmem:s24+$0xC030] =	vst v9;
	v11 =	vadd.f32 v16, v11;
	v16 =	vld [tilespmem:s24+$0x4420]  }
0x75: {  	[tilespmem:s24+$0xC040] =	vst v10;
	v12 =	vadd.f32 v17, v12;
	v17 =	vld [tilespmem:s24+$0x4430]  }
0x76: {  	s25 =	sadd.s32 $0x80, s25;
	[tilespmem:s24+$0xC050] =	vst v11;
	v14 =	vadd.f32 v18, v14;
	v18 =	vld [tilespmem:s24+$0x4440]  }
0x77: {  	s28 =	sand.u32 $0x3800, s26;
	s26 =	sadd.s32 $0x100, s26;
	s29 =	sand.u32 $0x380, s25;
	[tilespmem:s24+$0xC060] =	vst v12;
	v15 =	vadd.f32 v20, v15;
	v20 =	vld [tilespmem:s24+$0x4450]  }
0x78: {  	[tilespmem:s24+$0xC070] =	vst v14;
	s1 =	sor.u32 s29, s28;
	v21 =	vld [tilespmem:s24+$0x4460];
	v4 =	vadd.f32 v19, v4  }
0x79: {  	v22 =	vld [tilespmem:s1+$0x4470];
	[tilespmem:s24+$0xC400] =	vst v15;
	v5 =	vadd.f32 v16, v5  }
0x7a: {  	v61 =	vld [tilespmem:s1+$0x4000];
	[tilespmem:s24+$0xC410] =	vst v4;
	v3 =	vadd.f32 v17, v3  }
0x7b: {  	v16 =	vld [tilespmem:s1+$0x4010];
	[tilespmem:s24+$0xC420] =	vst v5;
	v18 =	vadd.f32 v18, v2  }
0x7c: {  	v17 =	vld [tilespmem:s1+$0x4020];
	[tilespmem:s24+$0xC430] =	vst v3;
	v20 =	vadd.f32 v20, v1  }
0x7d: {  	v2 =	vld [tilespmem:s1+$0x4030];
	[tilespmem:s24+$0xC440] =	vst v18;
	v21 =	vadd.f32 v21, v0  }
0x7e: {  	v1 =	vld [tilespmem:s1+$0x4040];
	[tilespmem:s24+$0xC450] =	vst v20;
	v6 =	vadd.f32 v22, v6  }
0x7f: {  	v0 =	vld [tilespmem:s1+$0x4050];
	v7 =	vadd.f32 v61, v7;
	[tilespmem:s24+$0xC460] =	vst v21  }
0x80: {  	v13 =	vadd.f32 v16, v13;
	v16 =	vld [tilespmem:s1+$0x4060];
	[tilespmem:s1+$0xC470] =	vst v6  }
0x81: {  	[tilespmem:s1+$0xC000] =	vst v7;
	v8 =	vadd.f32 v17, v8;
	v17 =	vld [tilespmem:s1+$0x4070]  }
0x82: {  	[tilespmem:s1+$0xC010] =	vst v13;
	v9 =	vadd.f32 v2, v9;
	v2 =	vld [tilespmem:s1+$0x4400]  }
0x83: {  	[tilespmem:s1+$0xC020] =	vst v8;
	v10 =	vadd.f32 v1, v10;
	v1 =	vld [tilespmem:s1+$0x4410]  }
0x84: {  	v62 =	vld [tilespmem:s1+$0x4420];
	[tilespmem:s1+$0xC030] =	vst v9;
	v11 =	vadd.f32 v0, v11  }
0x85: {  	v63 =	vld [tilespmem:s1+$0x4450];
	[tilespmem:s1+$0xC040] =	vst v10;
	v12 =	vadd.f32 v16, v12  }
0x86: {  	v23 =	vld [tilespmem:s1+$0x4460];
	[tilespmem:s1+$0xC050] =	vst v11;
	v14 =	vadd.f32 v17, v14  }
0x87: {  	v16 =	vld [tilespmem:s1+$0x4430];
	[tilespmem:s1+$0xC060] =	vst v12;
	v15 =	vadd.f32 v2, v15  }
0x88: {  	v17 =	vld [tilespmem:s1+$0x4440];
	[tilespmem:s1+$0xC070] =	vst v14;
	v0 =	vadd.f32 v1, v4  }
0x89: {  	v1 =	vadd.f32 v62, v5;
	[tilespmem:s1+$0xC400] =	vst v15  }
0x8a: {  	v4 =	vadd.f32 v63, v20;
	[tilespmem:s1+$0xC410] =	vst v0  }
0x8b: {  	v5 =	vadd.f32 v23, v21;
	[tilespmem:s1+$0xC420] =	vst v1  }
0x8c: {  	v2 =	vadd.f32 v16, v3;
	[tilespmem:s1+$0xC450] =	vst v4  }
0x8d: {  	[tilespmem:s1+$0xC460] =	vst v5;
	v3 =	vadd.f32 v17, v18  }
0x8e: {  	[tilespmem:s1+$0xC430] =	vst v2  }
0x8f: {  	[tilespmem:s1+$0xC440] =	vst v3  }
0x90: {  	[hbm4b:s10+s15] =	stream.strided.scatter [tilespmem:s20], [sflag:$0x4], $0x4000, s16, s15, $0x38;
	[tilespmem:$0x10000] =	vst v63  }
0x91: {  	s24 =	simm.s32 $0x1  }
0x92: {  	[tilespmem:s16], [sflag:$0x2] =	stream.strided.gather [hbm4b:s11+s15], $0x4000, s16, s15, $0x38;
	[tilespmem:$0x10000] =	vst v63  }
.LBB2_6:
0x93: {  	_ =	swait.ge [sflag:s21], $0x4000  }
0x94: {  	[sflag:s21] =	ssyncset.done $0x0  }
0x95: {  	[sflag:s21] =	ssyncadd.s32 $0xFFFFC000  }
0x96: {  	s1 =	simm.s32 $0x0;
	_ =	swait.ge [sflag:s17], $0x4000  }
0x97: {  	s25 =	sand.u32 $0x3800, s1;
	s1 =	sand.u32 $0x380, s1;
	[sflag:s17] =	ssyncset.done $0x0  }
0x98: {  	s25 =	sor.u32 s1, s25;
	[sflag:s17] =	ssyncadd.s32 $0xFFFFC000  }
0x99: {  	v16 =	vld [tilespmem:s25+$0x470]  }
0x9a: {  	v17 =	vld [tilespmem:s25+$0x0]  }
0x9b: {  	v18 =	vld [tilespmem:s25+$0x10]  }
0x9c: {  	v19 =	vld [tilespmem:s25+$0x20]  }
0x9d: {  	v20 =	vld [tilespmem:s25+$0x30]  }
0x9e: {  	v21 =	vld [tilespmem:s25+$0x40];
	v6 =	vadd.f32 v16, v6  }
0x9f: {  	v22 =	vld [tilespmem:s25+$0x50];
	v7 =	vadd.f32 v17, v7  }
0xa0: {  	v23 =	vld [tilespmem:s25+$0x60];
	v13 =	vadd.f32 v18, v13;
	[tilespmem:s25+$0x8470] =	vst v6  }
0xa1: {  	v24 =	vld [tilespmem:s25+$0x70];
	v8 =	vadd.f32 v19, v8;
	[tilespmem:s25+$0x8000] =	vst v7  }
0xa2: {  	v25 =	vld [tilespmem:s25+$0x400];
	v9 =	vadd.f32 v20, v9;
	[tilespmem:s25+$0x8010] =	vst v13  }
0xa3: {  	v19 =	vld [tilespmem:s25+$0x410];
	v10 =	vadd.f32 v21, v10;
	[tilespmem:s25+$0x8020] =	vst v8  }
0xa4: {  	v16 =	vld [tilespmem:s25+$0x420];
	v11 =	vadd.f32 v22, v11;
	[tilespmem:s25+$0x8030] =	vst v9  }
0xa5: {  	v17 =	vld [tilespmem:s25+$0x430];
	v12 =	vadd.f32 v23, v12;
	[tilespmem:s25+$0x8040] =	vst v10  }
0xa6: {  	s31 =	simm.s32 $0x100;
	s26 =	simm.s32 $0x80;
	v18 =	vld [tilespmem:s25+$0x440];
	v14 =	vadd.f32 v24, v14;
	[tilespmem:s25+$0x8050] =	vst v11  }
0xa7: {  	s28 =	simm.s32 $0x200;
	s29 =	sand.u32 $0x3800, s31;
	s30 =	sand.u32 $0x380, s26;
	v15 =	vadd.f32 v25, v15;
	v20 =	vld [tilespmem:s25+$0x450];
	[tilespmem:s25+$0x8060] =	vst v12  }
.LBB2_7:
0xa8: {  	p0 =	sne.s32 s28, $0x3F00;
	s1 =	sor.u32 s30, s29;
	[tilespmem:s25+$0x8070] =	vst v14;
	v0 =	vadd.f32 v19, v0;
	v19 =	vld [tilespmem:s25+$0x460]  }
0xa9: {  	v21 =	vld [tilespmem:s1+$0x470];
	[tilespmem:s25+$0x8400] =	vst v15;
	v1 =	vadd.f32 v16, v1  }
0xaa: {  	v16 =	vld [tilespmem:s1+$0x0];
	[tilespmem:s25+$0x8410] =	vst v0;
	v2 =	vadd.f32 v17, v2  }
0xab: {  	v17 =	vld [tilespmem:s1+$0x10];
	[tilespmem:s25+$0x8420] =	vst v1;
	v3 =	vadd.f32 v18, v3  }
0xac: {  	v18 =	vld [tilespmem:s1+$0x20];
	[tilespmem:s25+$0x8430] =	vst v2;
	v4 =	vadd.f32 v20, v4  }
0xad: {  	v20 =	vld [tilespmem:s1+$0x30];
	[tilespmem:s25+$0x8440] =	vst v3;
	v5 =	vadd.f32 v19, v5  }
0xae: {  	v19 =	vld [tilespmem:s1+$0x40];
	v6 =	vadd.f32 v21, v6;
	[tilespmem:s25+$0x8450] =	vst v4  }
0xaf: {  	v7 =	vadd.f32 v16, v7;
	v16 =	vld [tilespmem:s1+$0x50];
	[tilespmem:s25+$0x8460] =	vst v5;
	s25 =	smov.u32 s1  }
0xb0: {  	v13 =	vadd.f32 v17, v13;
	v17 =	vld [tilespmem:s25+$0x60];
	[tilespmem:s25+$0x8470] =	vst v6  }
0xb1: {  	[tilespmem:s25+$0x8000] =	vst v7;
	v8 =	vadd.f32 v18, v8;
	v18 =	vld [tilespmem:s25+$0x70]  }
0xb2: {  	[tilespmem:s25+$0x8010] =	vst v13;
	v9 =	vadd.f32 v20, v9;
	v20 =	vld [tilespmem:s25+$0x400]  }
.Ltmp4:
0xb3: {  	[tilespmem:s25+$0x8020] =	vst v8;
	v10 =	vadd.f32 v19, v10;
	v19 =	vld [tilespmem:s25+$0x410];
	(pc) =	sbr.rel @p0 .LBB2_7-.Ltmp4, $4  }
0xb4: {  	[tilespmem:s25+$0x8030] =	vst v9;
	v11 =	vadd.f32 v16, v11;
	v16 =	vld [tilespmem:s25+$0x420]  }
0xb5: {  	[tilespmem:s25+$0x8040] =	vst v10;
	v12 =	vadd.f32 v17, v12;
	v17 =	vld [tilespmem:s25+$0x430]  }
0xb6: {  	s26 =	sadd.s32 $0x80, s26;
	[tilespmem:s25+$0x8050] =	vst v11;
	v14 =	vadd.f32 v18, v14;
	v18 =	vld [tilespmem:s25+$0x440]  }
0xb7: {  	s29 =	sand.u32 $0x3800, s28;
	s28 =	sadd.s32 $0x100, s28;
	s30 =	sand.u32 $0x380, s26;
	[tilespmem:s25+$0x8060] =	vst v12;
	v15 =	vadd.f32 v20, v15;
	v20 =	vld [tilespmem:s25+$0x450]  }
0xb8: {  	[tilespmem:s25+$0x8070] =	vst v14;
	s28 =	sor.u32 s30, s29;
	v21 =	vld [tilespmem:s25+$0x460];
	v0 =	vadd.f32 v19, v0  }
0xb9: {  	v22 =	vld [tilespmem:s28+$0x470];
	[tilespmem:s25+$0x8400] =	vst v15;
	v1 =	vadd.f32 v16, v1  }
0xba: {  	v19 =	vld [tilespmem:s28+$0x0];
	[tilespmem:s25+$0x8410] =	vst v0;
	v2 =	vadd.f32 v17, v2  }
0xbb: {  	v16 =	vld [tilespmem:s28+$0x10];
	[tilespmem:s25+$0x8420] =	vst v1;
	v18 =	vadd.f32 v18, v3  }
0xbc: {  	v17 =	vld [tilespmem:s28+$0x20];
	[tilespmem:s25+$0x8430] =	vst v2;
	v20 =	vadd.f32 v20, v4  }
0xbd: {  	v3 =	vld [tilespmem:s28+$0x30];
	[tilespmem:s25+$0x8440] =	vst v18;
	v21 =	vadd.f32 v21, v5  }
0xbe: {  	v4 =	vld [tilespmem:s28+$0x40];
	[tilespmem:s25+$0x8450] =	vst v20;
	v6 =	vadd.f32 v22, v6  }
0xbf: {  	v5 =	vld [tilespmem:s28+$0x50];
	v7 =	vadd.f32 v19, v7;
	[tilespmem:s25+$0x8460] =	vst v21  }
0xc0: {  	v13 =	vadd.f32 v16, v13;
	v16 =	vld [tilespmem:s28+$0x60];
	[tilespmem:s28+$0x8470] =	vst v6  }
0xc1: {  	[tilespmem:s28+$0x8000] =	vst v7;
	v8 =	vadd.f32 v17, v8;
	v17 =	vld [tilespmem:s28+$0x70]  }
0xc2: {  	[tilespmem:s28+$0x8010] =	vst v13;
	v9 =	vadd.f32 v3, v9;
	v3 =	vld [tilespmem:s28+$0x400]  }
0xc3: {  	[tilespmem:s28+$0x8020] =	vst v8;
	v10 =	vadd.f32 v4, v10;
	v4 =	vld [tilespmem:s28+$0x410]  }
0xc4: {  	v19 =	vld [tilespmem:s28+$0x450];
	[tilespmem:s28+$0x8030] =	vst v9;
	v11 =	vadd.f32 v5, v11  }
0xc5: {  	v5 =	vld [tilespmem:s28+$0x420];
	[tilespmem:s28+$0x8040] =	vst v10;
	v12 =	vadd.f32 v16, v12  }
0xc6: {  	v22 =	vld [tilespmem:s28+$0x460];
	[tilespmem:s28+$0x8050] =	vst v11;
	v14 =	vadd.f32 v17, v14  }
0xc7: {  	v16 =	vld [tilespmem:s28+$0x430];
	[tilespmem:s28+$0x8060] =	vst v12;
	v15 =	vadd.f32 v3, v15  }
0xc8: {  	v17 =	vld [tilespmem:s28+$0x440];
	[tilespmem:s28+$0x8070] =	vst v14;
	v4 =	vadd.f32 v4, v0  }
0xc9: {  	v0 =	vadd.f32 v19, v20;
	[tilespmem:s28+$0x8400] =	vst v15  }
0xca: {  	v5 =	vadd.f32 v5, v1;
	[tilespmem:s28+$0x8410] =	vst v4  }
0xcb: {  	v1 =	vadd.f32 v22, v21;
	[tilespmem:s28+$0x8450] =	vst v0  }
0xcc: {  	s25 =	sshll.u32 s24, $0x12;
	v3 =	vadd.f32 v16, v2;
	[tilespmem:s28+$0x8420] =	vst v5  }
0xcd: {  	s1 =	sor.u32 s25, s5;
	v2 =	vadd.f32 v17, v18;
	[tilespmem:s28+$0x8460] =	vst v1  }
0xce: {  	s26 =	sshrl.u32 s1, $0x3;
	[tilespmem:s28+$0x8430] =	vst v3  }
0xcf: {  	p0 =	seq.s32 s24, $0x3F;
	s1 =	sadd.s32 s3, s26;
	[tilespmem:s28+$0x8440] =	vst v2  }
0xd0: {  	[hbm4b:s1+s15] =	stream.strided.scatter [tilespmem:s18], [sflag:$0x3], $0x4000, s16, s15, $0x38;
	[tilespmem:$0x10000] =	vst v63  }
0xd1: {  	s1 =	sadd.s32 @!p0 s25, s12  }
0xd2: {  	s29 =	simm.s32 @!p0 $0x4000;
	s1 =	sshrl.u32 @!p0 s1, $0x3  }
0xd3: {  	s30 =	simm.s32 @!p0 $0x0;
	s28 =	simm.s32 @!p0 $0x800;
	s1 =	sadd.s32 @!p0 s2, s1  }
0xd4: {  	[tilespmem:s30], [sflag:$0x1] =	stream.strided.gather @!p0 [hbm4b:s1+s28], $0x4000, s29, s28, $0x38;
	[tilespmem:$0x10000] =	vst v63  }
0xd5: {  	_ =	swait.ge [sflag:s22], $0x4000  }
0xd6: {  	[sflag:s22] =	ssyncset.done $0x0  }
0xd7: {  	[sflag:s22] =	ssyncadd.s32 $0xFFFFC000  }
0xd8: {  	s1 =	simm.s32 $0x0;
	_ =	swait.ge [sflag:s19], $0x4000  }
0xd9: {  	s28 =	sand.u32 $0x3800, s1;
	s1 =	sand.u32 $0x380, s1;
	[sflag:s19] =	ssyncset.done $0x0  }
0xda: {  	s28 =	sor.u32 s1, s28;
	[sflag:s19] =	ssyncadd.s32 $0xFFFFC000  }
0xdb: {  	v16 =	vld [tilespmem:s28+$0x4470]  }
0xdc: {  	v17 =	vld [tilespmem:s28+$0x4000]  }
0xdd: {  	v18 =	vld [tilespmem:s28+$0x4010]  }
0xde: {  	v19 =	vld [tilespmem:s28+$0x4020]  }
0xdf: {  	v20 =	vld [tilespmem:s28+$0x4030]  }
0xe0: {  	v21 =	vld [tilespmem:s28+$0x4040];
	v6 =	vadd.f32 v16, v6  }
0xe1: {  	v22 =	vld [tilespmem:s28+$0x4050];
	v7 =	vadd.f32 v17, v7  }
0xe2: {  	v23 =	vld [tilespmem:s28+$0x4060];
	v13 =	vadd.f32 v18, v13;
	[tilespmem:s28+$0xC470] =	vst v6  }
0xe3: {  	v24 =	vld [tilespmem:s28+$0x4070];
	v8 =	vadd.f32 v19, v8;
	[tilespmem:s28+$0xC000] =	vst v7  }
0xe4: {  	v25 =	vld [tilespmem:s28+$0x4400];
	v9 =	vadd.f32 v20, v9;
	[tilespmem:s28+$0xC010] =	vst v13  }
0xe5: {  	v19 =	vld [tilespmem:s28+$0x4410];
	v10 =	vadd.f32 v21, v10;
	[tilespmem:s28+$0xC020] =	vst v8  }
0xe6: {  	v16 =	vld [tilespmem:s28+$0x4420];
	v11 =	vadd.f32 v22, v11;
	[tilespmem:s28+$0xC030] =	vst v9  }
0xe7: {  	v17 =	vld [tilespmem:s28+$0x4430];
	v12 =	vadd.f32 v23, v12;
	[tilespmem:s28+$0xC040] =	vst v10  }
0xe8: {  	s29 =	simm.s32 $0x80;
	s1 =	simm.s32 $0x100;
	v18 =	vld [tilespmem:s28+$0x4440];
	v14 =	vadd.f32 v24, v14;
	[tilespmem:s28+$0xC050] =	vst v11  }
0xe9: {  	s30 =	simm.s32 $0x200;
	s31 =	sand.u32 $0x3800, s1;
	s1 =	sand.u32 $0x380, s29;
	v15 =	vadd.f32 v25, v15;
	v20 =	vld [tilespmem:s28+$0x4450];
	[tilespmem:s28+$0xC060] =	vst v12  }
.LBB2_9:
0xea: {  	p1 =	sne.s32 s30, $0x3F00;
	s1 =	sor.u32 s1, s31;
	[tilespmem:s28+$0xC070] =	vst v14;
	v4 =	vadd.f32 v19, v4;
	v19 =	vld [tilespmem:s28+$0x4460]  }
0xeb: {  	v21 =	vld [tilespmem:s1+$0x4470];
	[tilespmem:s28+$0xC400] =	vst v15;
	v5 =	vadd.f32 v16, v5  }
0xec: {  	v16 =	vld [tilespmem:s1+$0x4000];
	[tilespmem:s28+$0xC410] =	vst v4;
	v3 =	vadd.f32 v17, v3  }
0xed: {  	v17 =	vld [tilespmem:s1+$0x4010];
	[tilespmem:s28+$0xC420] =	vst v5;
	v2 =	vadd.f32 v18, v2  }
0xee: {  	v18 =	vld [tilespmem:s1+$0x4020];
	[tilespmem:s28+$0xC430] =	vst v3;
	v0 =	vadd.f32 v20, v0  }
0xef: {  	v20 =	vld [tilespmem:s1+$0x4030];
	[tilespmem:s28+$0xC440] =	vst v2;
	v1 =	vadd.f32 v19, v1  }
0xf0: {  	v19 =	vld [tilespmem:s1+$0x4040];
	v6 =	vadd.f32 v21, v6;
	[tilespmem:s28+$0xC450] =	vst v0  }
0xf1: {  	v7 =	vadd.f32 v16, v7;
	v16 =	vld [tilespmem:s1+$0x4050];
	[tilespmem:s28+$0xC460] =	vst v1;
	s28 =	smov.u32 s1  }
0xf2: {  	v13 =	vadd.f32 v17, v13;
	v17 =	vld [tilespmem:s28+$0x4060];
	[tilespmem:s28+$0xC470] =	vst v6  }
0xf3: {  	[tilespmem:s28+$0xC000] =	vst v7;
	v8 =	vadd.f32 v18, v8;
	v18 =	vld [tilespmem:s28+$0x4070]  }
0xf4: {  	[tilespmem:s28+$0xC010] =	vst v13;
	v9 =	vadd.f32 v20, v9;
	v20 =	vld [tilespmem:s28+$0x4400]  }
.Ltmp5:
0xf5: {  	[tilespmem:s28+$0xC020] =	vst v8;
	v10 =	vadd.f32 v19, v10;
	v19 =	vld [tilespmem:s28+$0x4410];
	(pc) =	sbr.rel @p1 .LBB2_9-.Ltmp5, $4  }
0xf6: {  	[tilespmem:s28+$0xC030] =	vst v9;
	v11 =	vadd.f32 v16, v11;
	v16 =	vld [tilespmem:s28+$0x4420]  }
0xf7: {  	[tilespmem:s28+$0xC040] =	vst v10;
	v12 =	vadd.f32 v17, v12;
	v17 =	vld [tilespmem:s28+$0x4430]  }
0xf8: {  	s29 =	sadd.s32 $0x80, s29;
	[tilespmem:s28+$0xC050] =	vst v11;
	v14 =	vadd.f32 v18, v14;
	v18 =	vld [tilespmem:s28+$0x4440]  }
0xf9: {  	s31 =	sand.u32 $0x3800, s30;
	s30 =	sadd.s32 $0x100, s30;
	s1 =	sand.u32 $0x380, s29;
	[tilespmem:s28+$0xC060] =	vst v12;
	v15 =	vadd.f32 v20, v15;
	v20 =	vld [tilespmem:s28+$0x4450]  }
0xfa: {  	[tilespmem:s28+$0xC070] =	vst v14;
	s29 =	sor.u32 s1, s31;
	v21 =	vld [tilespmem:s28+$0x4460];
	v4 =	vadd.f32 v19, v4  }
0xfb: {  	v22 =	vld [tilespmem:s29+$0x4470];
	[tilespmem:s28+$0xC400] =	vst v15;
	v5 =	vadd.f32 v16, v5  }
0xfc: {  	v61 =	vld [tilespmem:s29+$0x4000];
	[tilespmem:s28+$0xC410] =	vst v4;
	v3 =	vadd.f32 v17, v3  }
0xfd: {  	v16 =	vld [tilespmem:s29+$0x4010];
	[tilespmem:s28+$0xC420] =	vst v5;
	v18 =	vadd.f32 v18, v2  }
0xfe: {  	v17 =	vld [tilespmem:s29+$0x4020];
	[tilespmem:s28+$0xC430] =	vst v3;
	v20 =	vadd.f32 v20, v0  }
0xff: {  	v2 =	vld [tilespmem:s29+$0x4030];
	[tilespmem:s28+$0xC440] =	vst v18;
	v21 =	vadd.f32 v21, v1  }
0x100: {  	v0 =	vld [tilespmem:s29+$0x4040];
	[tilespmem:s28+$0xC450] =	vst v20;
	v6 =	vadd.f32 v22, v6  }
0x101: {  	v1 =	vld [tilespmem:s29+$0x4050];
	v7 =	vadd.f32 v61, v7;
	[tilespmem:s28+$0xC460] =	vst v21  }
0x102: {  	v13 =	vadd.f32 v16, v13;
	v16 =	vld [tilespmem:s29+$0x4060];
	[tilespmem:s29+$0xC470] =	vst v6  }
0x103: {  	[tilespmem:s29+$0xC000] =	vst v7;
	v8 =	vadd.f32 v17, v8;
	v17 =	vld [tilespmem:s29+$0x4070]  }
0x104: {  	[tilespmem:s29+$0xC010] =	vst v13;
	v9 =	vadd.f32 v2, v9;
	v2 =	vld [tilespmem:s29+$0x4400]  }
0x105: {  	[tilespmem:s29+$0xC020] =	vst v8;
	v10 =	vadd.f32 v0, v10;
	v0 =	vld [tilespmem:s29+$0x4410]  }
0x106: {  	v62 =	vld [tilespmem:s29+$0x4450];
	[tilespmem:s29+$0xC030] =	vst v9;
	v11 =	vadd.f32 v1, v11  }
0x107: {  	v1 =	vld [tilespmem:s29+$0x4420];
	[tilespmem:s29+$0xC040] =	vst v10;
	v12 =	vadd.f32 v16, v12  }
0x108: {  	v63 =	vld [tilespmem:s29+$0x4460];
	[tilespmem:s29+$0xC050] =	vst v11;
	v14 =	vadd.f32 v17, v14  }
0x109: {  	v16 =	vld [tilespmem:s29+$0x4430];
	[tilespmem:s29+$0xC060] =	vst v12;
	v15 =	vadd.f32 v2, v15  }
0x10a: {  	v17 =	vld [tilespmem:s29+$0x4440];
	[tilespmem:s29+$0xC070] =	vst v14;
	v0 =	vadd.f32 v0, v4  }
0x10b: {  	v4 =	vadd.f32 v62, v20;
	[tilespmem:s29+$0xC400] =	vst v15  }
0x10c: {  	v1 =	vadd.f32 v1, v5;
	[tilespmem:s29+$0xC410] =	vst v0  }
0x10d: {  	v5 =	vadd.f32 v63, v21;
	[tilespmem:s29+$0xC450] =	vst v4  }
.Ltmp6:
0x10e: {  	v2 =	vadd.f32 v16, v3;
	[tilespmem:s29+$0xC420] =	vst v1;
	(pc) =	sbr.rel @p0 .LBB2_12-.Ltmp6, $4  }
0x10f: {  	v3 =	vadd.f32 v17, v18;
	[tilespmem:s29+$0xC460] =	vst v5  }
0x110: {  	s31 =	sor.u32 $0x4000, s26;
	[tilespmem:s29+$0xC430] =	vst v2  }
0x111: {  	s1 =	sadd.s32 s3, s31;
	[tilespmem:s29+$0xC440] =	vst v3  }
0x112: {  	[hbm4b:s1+s15] =	stream.strided.scatter [tilespmem:s20], [sflag:$0x4], $0x4000, s16, s15, $0x38;
	[tilespmem:$0x10000] =	vst v63  }
.Ltmp7:
0x113: {  	(pc) =	sbr.rel .LBB2_6-.Ltmp7, $4  }
0x114: {  	s1 =	sadd.s32 s25, s13  }
0x115: {  	s1 =	sshrl.u32 s1, $0x3  }
0x116: {  	s24 =	sadd.s32 $0x1, s24;
	s1 =	sadd.s32 s2, s1  }
0x117: {  	[tilespmem:s16], [sflag:$0x2] =	stream.strided.gather [hbm4b:s1+s15], $0x4000, s16, s15, $0x38;
	[tilespmem:$0x10000] =	vst v63  }
.LBB2_13:
0x118: {  	_ =	sfence.sel $0x180000  }
0x119: {  	[bflag:$0x0] =	sbarrier.arrive $0xFFFF  }
0x11a: {  	_ =	strace $0x90000047  }
0x11b: {  	[bflag:$0x2] =	sbarrier.arrive $0xFFFF  }
0x11c: {  	p0 =	sne.s32 s0, $0x0;
	s0 =	rddreg [dreg:$0x2]  }
0x11d: {  	s0 =	sadd.s32 @!p0 $0x100000, s0  }
0x11e: {  	[sflag:s0] =	ssyncadd.tile.s32 @!p0 $0x1;
	_ =	shalt  }
.Lfunc_end2:
_tile_overlayer_lowered:
.L_overlay_start_2:
0x11f: {  	(tag) =	ssettag $0x2  }
0x120: {  	s0 =	rddreg [dreg:$0x0];
	s2 =	stileid.u32  }
0x121: {  	s1 =	rddreg [dreg:$0x1];
	p0 =	sne.s32 s2, $0x0  }
0x122: {  	s3 =	rddreg [dreg:$0x2];
	[bflag:$0x3] =	sbarrier.arrive $0xFFFF;
	s2 =	simm.s32 @!p0 $0x1C05  }
0x123: {  	[timem:s3], [sflag:s2] =	dma.local @!p0 [hbm:s0], s1  }
0x124: {  	s0 =	simm.s32 @!p0 $0x5  }
0x125: {  	_ =	swait.ge @!p0 [sflag:s0], s1  }
0x126: {  	s1 =	ssub.s32 @!p0 $0x0, s1;
	[sflag:s0] =	ssyncset.done @!p0 $0x0  }
0x127: {  	[sflag:s0] =	ssyncadd.s32 @!p0 s1  }
0x128: {  	[bflag:$0x3] =	sbarrier.arrive $0xFFFF  }
0x129: {  	_ =	shalt  }

</sc_bundles>
